<compile_context>
chip_gen: v7x
topology: tpu7x:2x2x1
jax: 0.10.2.dev20260603
libtpu: 0.0.44.dev20260713+nightly
codegen_flags: <defaults>
</compile_context>

<pallas_src>
import functools

import jax
import jax.numpy as jnp
from jax import lax
from jax.experimental import pallas as pl
from jax.experimental.pallas import tpu as pltpu
from jax.experimental.pallas import tpu_sc as plsc

N = 10000
E = 320000
IN_DIM = 128

L = 16
NCORES = 2
NTILES = 16
NW = NCORES * NTILES
NP = 10240
SLICE = NP // NTILES
EPT = E // NW
ECHUNK = 10240


def _matvec_body(f_ref, w_ref, xp_ref):
    xp_ref[...] = jnp.dot(w_ref[...].T, f_ref[...],
                          preferred_element_type=jnp.float32)


def _xp_pallas(f, w):
    return pl.pallas_call(
        _matvec_body,
        out_shape=jax.ShapeDtypeStruct((1, N), jnp.float32),
    )(f, w)


_sc_mesh = plsc.VectorSubcoreMesh(core_axis_name="c", subcore_axis_name="s")


@functools.partial(
    pl.kernel,
    out_type=[
        jax.ShapeDtypeStruct((NCORES, NP), jnp.float32),
        jax.ShapeDtypeStruct((NCORES, NP), jnp.float32),
    ],
    mesh=_sc_mesh,
    compiler_params=pltpu.CompilerParams(needs_layout_passes=False),
    scratch_types=[
        pltpu.VMEM((N,), jnp.float32),
        pltpu.VMEM((2, ECHUNK), jnp.int32),
        pltpu.VMEM((NP,), jnp.float32),
        pltpu.VMEM((NP,), jnp.float32),
        pltpu.VMEM((1,), jnp.float32),
        pltpu.VMEM((1,), jnp.float32),
        pltpu.VMEM((NTILES, SLICE), jnp.float32),
        pltpu.VMEM((NTILES, SLICE), jnp.float32),
        pltpu.VMEM_SHARED((NTILES, NP), jnp.float32),
        pltpu.VMEM_SHARED((NTILES, NP), jnp.float32),
        pltpu.SemaphoreType.DMA,
        pltpu.SemaphoreType.DMA,
        pltpu.SemaphoreType.DMA,
        pltpu.SemaphoreType.DMA,
    ],
)
def _edge_kernel(xp_hbm, edge_hbm, asrc_hbm, adst_hbm, num_out, den_out,
                 xp_v, ev_v, num_v, den_v, as_v, ad_v, red_v, red2_v,
                 num_sh, den_sh, sem0, sem1, sem2, sem3):
    cid = lax.axis_index("c")
    sid = lax.axis_index("s")
    wid = sid * NCORES + cid

    base = wid * EPT
    abase = jnp.minimum(base - lax.rem(base, 128), E - ECHUNK)
    abase = pl.multiple_of(abase, 128)
    o = base - abase

    cp_e = pltpu.async_copy(edge_hbm.at[:, pl.ds(abase, ECHUNK)], ev_v, sem0)
    cp_x = pltpu.async_copy(xp_hbm.at[0], xp_v, sem1)
    cp_s = pltpu.async_copy(asrc_hbm, as_v, sem2)
    cp_d = pltpu.async_copy(adst_hbm, ad_v, sem3)

    zero = jnp.zeros((L,), jnp.float32)

    @plsc.parallel_loop(0, NP // L, unroll=4)
    def _(j):
        num_v[pl.ds(j * L, L)] = zero
        den_v[pl.ds(j * L, L)] = zero

    cp_e.wait()
    cp_x.wait()
    cp_s.wait()
    cp_d.wait()

    zidx = jnp.zeros((L,), jnp.int32)
    a_s = plsc.load_gather(as_v, [zidx])
    a_d = plsc.load_gather(ad_v, [zidx])
    a_sum = a_s + a_d

    @plsc.parallel_loop(0, EPT // L, unroll=5)
    def _(i):
        sv = ev_v[0, pl.ds(o + i * L, L)]
        dv = ev_v[1, pl.ds(o + i * L, L)]
        xs = plsc.load_gather(xp_v, [sv])
        xd = plsc.load_gather(xp_v, [dv])
        t = a_s * xs + a_d * xd
        alpha = jnp.where(t < 0.0, t * 0.2, t)
        c = a_sum * xd
        c = jnp.where(c < 0.0, c * 0.2, c)
        ex = jnp.exp(alpha - c)
        plsc.addupdate_scatter(den_v, [dv], ex)
        plsc.addupdate_scatter(num_v, [dv], ex * xs)

    cp_pn = pltpu.async_copy(num_v, num_sh.at[sid], sem0)
    cp_pd = pltpu.async_copy(den_v, den_sh.at[sid], sem1)
    cp_pn.wait()
    cp_pd.wait()
    plsc.subcore_barrier()

    nbase = sid * SLICE

    cp_rn = pltpu.async_copy(num_sh.at[:, pl.ds(nbase, SLICE)], red_v, sem0)
    cp_rd = pltpu.async_copy(den_sh.at[:, pl.ds(nbase, SLICE)], red2_v, sem1)
    cp_rn.wait()

    @plsc.parallel_loop(0, SLICE // L, unroll=4)
    def _(j):
        acc = red_v[0, pl.ds(j * L, L)]
        for k in range(1, NTILES):
            acc = acc + red_v[k, pl.ds(j * L, L)]
        num_v[pl.ds(j * L, L)] = acc

    cp_on = pltpu.async_copy(num_v.at[pl.ds(0, SLICE)],
                             num_out.at[cid, pl.ds(nbase, SLICE)], sem2)
    cp_rd.wait()

    @plsc.parallel_loop(0, SLICE // L, unroll=4)
    def _(j):
        acc = red2_v[0, pl.ds(j * L, L)]
        for k in range(1, NTILES):
            acc = acc + red2_v[k, pl.ds(j * L, L)]
        den_v[pl.ds(j * L, L)] = acc

    cp_od = pltpu.async_copy(den_v.at[pl.ds(0, SLICE)],
                             den_out.at[cid, pl.ds(nbase, SLICE)], sem3)
    cp_on.wait()
    cp_od.wait()


def _combine_body(xp_ref, n_ref, d_ref, b_ref, o_ref):
    num = xp_ref[...] + n_ref[0:1, :N] + n_ref[1:2, :N]
    den = 1.0 + d_ref[0:1, :N] + d_ref[1:2, :N] + 1e-16
    o_ref[...] = (num / den + b_ref[0])[0]


def _combine_pallas(xp_pad, num_p, den_p, bias):
    return pl.pallas_call(
        _combine_body,
        out_shape=jax.ShapeDtypeStruct((N,), jnp.float32),
        in_specs=[
            pl.BlockSpec(memory_space=pltpu.VMEM),
            pl.BlockSpec(memory_space=pltpu.VMEM),
            pl.BlockSpec(memory_space=pltpu.VMEM),
            pl.BlockSpec(memory_space=pltpu.SMEM),
        ],
    )(xp_pad, num_p, den_p, bias)


def kernel(F, edge_index, W, att_src, att_dst, bias):
    xp2 = _xp_pallas(F, W)
    num_p, den_p = _edge_kernel(xp2, edge_index,
                                att_src.astype(jnp.float32),
                                att_dst.astype(jnp.float32))
    return _combine_pallas(xp2, num_p, den_p, bias)

# --- scband reference (transcript-rebuilt; emitter-appended) ---
"""Pipeline reference for scband-feature-attention-net-35192962023825 (READ-ONLY COPY).

The authoritative reference and input builder live on the scoring server;
editing this copy changes nothing except your own understanding.
"""

import jax, jax.numpy as jnp
import numpy as np

N = 10000
E = 320000
IN_DIM = 128

def setup_inputs(seed: int = 0) -> dict:
    key = jax.random.key(seed)
    k0, k1, k2, k3, k4, k5 = jax.random.split(key, 6)
    F = jax.random.normal(k0, (IN_DIM, N), dtype=jnp.float32)
    edge_index = jax.random.randint(k1, (2, E), 0, N, dtype=jnp.int32)
    # GATConv(in_channels=IN_DIM, out_channels=1, heads=1, concat=False) parameters
    W = jax.random.normal(k2, (IN_DIM, 1), dtype=jnp.float32) / np.sqrt(IN_DIM)
    att_src = jax.random.normal(k3, (1,), dtype=jnp.float32)
    att_dst = jax.random.normal(k4, (1,), dtype=jnp.float32)
    bias = jnp.zeros((1,), dtype=jnp.float32)
    return {"F": F, "edge_index": edge_index, "W": W, "att_src": att_src, "att_dst": att_dst, "bias": bias}

def reference(F, edge_index, W, att_src, att_dst, bias):
    # F: [in_dim, N] -> F_t: [N, in_dim] (nodes of the feature-graph)
    x = F.T
    xp = x @ W  # [N, 1] linear projection (heads=1, out_channels=1)
    # GATConv default add_self_loops=True
    loop = jnp.arange(N, dtype=edge_index.dtype)
    src = jnp.concatenate([edge_index[0], loop])
    dst = jnp.concatenate([edge_index[1], loop])
    a_src = jnp.sum(xp * att_src[None, :], axis=-1)  # [N]
    a_dst = jnp.sum(xp * att_dst[None, :], axis=-1)  # [N]
    alpha = a_src[src] + a_dst[dst]  # [E+N]
    alpha = jax.nn.leaky_relu(alpha, negative_slope=0.2)
    # softmax over incoming edges of each dst node
    amax = jax.ops.segment_max(alpha, dst, num_segments=N)
    amax = jnp.where(jnp.isfinite(amax), amax, 0.0)
    ex = jnp.exp(alpha - amax[dst])
    denom = jax.ops.segment_sum(ex, dst, num_segments=N)
    coef = ex / (denom[dst] + 1e-16)
    msgs = xp[src] * coef[:, None]  # [E+N, 1]
    out = jax.ops.segment_sum(msgs, dst, num_segments=N)  # [N, 1]
    out = out + bias[None, :]
    return out.squeeze()

if __name__ == "__main__":
    import jax
    _d = setup_inputs()
    print(jax.jit(kernel)(*tuple(_d.values())))

</pallas_src>

<mosaic_0001>
#map = affine_map<(d0, d1) -> (0, 0)>
#map1 = affine_map<(d0, d1) -> (0)>
module attributes {stable_mosaic.version = 14 : i64} {
  func.func @_edge_kernel(%arg0: i32, %arg1: i32, %arg2: memref<1x10000xf32, #tpu.memory_space<hbm>>, %arg3: memref<2x320000xi32, #tpu.memory_space<hbm>>, %arg4: memref<1xf32, #tpu.memory_space<hbm>>, %arg5: memref<1xf32, #tpu.memory_space<hbm>>, %arg6: memref<2x10240xf32, #tpu.memory_space<hbm>>, %arg7: memref<2x10240xf32, #tpu.memory_space<hbm>>, %arg8: memref<10000xf32, #tpu.memory_space<vmem>>, %arg9: memref<2x10240xi32, #tpu.memory_space<vmem>>, %arg10: memref<10240xf32, #tpu.memory_space<vmem>>, %arg11: memref<10240xf32, #tpu.memory_space<vmem>>, %arg12: memref<1xf32, #tpu.memory_space<vmem>>, %arg13: memref<1xf32, #tpu.memory_space<vmem>>, %arg14: memref<16x640xf32, #tpu.memory_space<vmem>>, %arg15: memref<16x640xf32, #tpu.memory_space<vmem>>, %arg16: memref<16x10240xf32, #tpu.memory_space<vmem_shared>>, %arg17: memref<16x10240xf32, #tpu.memory_space<vmem_shared>>, %arg18: memref<!tpu.dma_semaphore, #tpu.memory_space<semaphore_mem>>, %arg19: memref<!tpu.dma_semaphore, #tpu.memory_space<semaphore_mem>>, %arg20: memref<!tpu.dma_semaphore, #tpu.memory_space<semaphore_mem>>, %arg21: memref<!tpu.dma_semaphore, #tpu.memory_space<semaphore_mem>>) attributes {dimension_semantics = [#tpu.dimension_semantics<core_parallel>, #tpu.dimension_semantics<subcore_parallel>], iteration_bounds = array<i64: 2, 16>, scalar_prefetch = 0 : i64, scratch_operands = 14 : i64, tpu.core_type = #tpu.core_type<sc_vector_subcore>, window_params = [{transform_indices = #map}, {transform_indices = #map}, {transform_indices = #map1}, {transform_indices = #map1}, {transform_indices = #map}, {transform_indices = #map}]} {
    %mul3A = arith.constant 2 : i32
    %mul3A_0 = arith.muli %arg1, %mul3A : i32
    %add3A = arith.addi %mul3A_0, %arg0 : i32
    %mul3A_1 = arith.constant 10000 : i32
    %mul3A_2 = arith.muli %add3A, %mul3A_1 : i32
    %rem3A = arith.constant 128 : i32
    %rem3A_3 = arith.remsi %mul3A_2, %rem3A : i32
    %sub3A = arith.subi %mul3A_2, %rem3A_3 : i32
    %min3A = arith.constant 309760 : i32
    %min3A_4 = arith.minsi %sub3A, %min3A : i32
    %multiple_of3A = tpu.assume_multiple %min3A_4, 128 : i32
    %sub3A_5 = arith.subi %mul3A_2, %multiple_of3A : i32
    %dma_start3A = arith.constant 0 : i32
    %dma_start3A_6 = tpu.memref_slice %arg3[%dma_start3A, %multiple_of3A] : memref<2x320000xi32, #tpu.memory_space<hbm>> -> memref<2x10240xi32, #tpu.memory_space<hbm>>
    %dma_start3A_7 = arith.constant 0 : i32
    %dma_start3A_8 = tpu.memref_slice %arg3[%dma_start3A_7, %multiple_of3A] : memref<2x320000xi32, #tpu.memory_space<hbm>> -> memref<2x10240xi32, #tpu.memory_space<hbm>>
    tpu.enqueue_dma source(%dma_start3A_8 : memref<2x10240xi32, #tpu.memory_space<hbm>>) target(%arg9 : memref<2x10240xi32, #tpu.memory_space<vmem>>) target_semaphore(%arg18 : memref<!tpu.dma_semaphore, #tpu.memory_space<semaphore_mem>>)
    %dma_start3A_9 = arith.constant 0 : i32
    %dma_start3A_10 = arith.constant 0 : i32
    %dma_start3A_11 = tpu.memref_slice %arg2[%dma_start3A_9, %dma_start3A_10] : memref<1x10000xf32, #tpu.memory_space<hbm>> -> memref<1x10000xf32, #tpu.memory_space<hbm>>
    %dma_start3A_12 = tpu.memref_squeeze %dma_start3A_11 : memref<1x10000xf32, #tpu.memory_space<hbm>> -> memref<10000xf32, #tpu.memory_space<hbm>>
    %dma_start3A_13 = arith.constant 0 : i32
    %dma_start3A_14 = tpu.memref_slice %arg2[%dma_start3A_9, %dma_start3A_13] : memref<1x10000xf32, #tpu.memory_space<hbm>> -> memref<1x10000xf32, #tpu.memory_space<hbm>>
    %dma_start3A_15 = tpu.memref_squeeze %dma_start3A_14 : memref<1x10000xf32, #tpu.memory_space<hbm>> -> memref<10000xf32, #tpu.memory_space<hbm>>
    tpu.enqueue_dma source(%dma_start3A_15 : memref<10000xf32, #tpu.memory_space<hbm>>) target(%arg8 : memref<10000xf32, #tpu.memory_space<vmem>>) target_semaphore(%arg19 : memref<!tpu.dma_semaphore, #tpu.memory_space<semaphore_mem>>)
    tpu.enqueue_dma source(%arg4 : memref<1xf32, #tpu.memory_space<hbm>>) target(%arg12 : memref<1xf32, #tpu.memory_space<vmem>>) target_semaphore(%arg20 : memref<!tpu.dma_semaphore, #tpu.memory_space<semaphore_mem>>)
    tpu.enqueue_dma source(%arg5 : memref<1xf32, #tpu.memory_space<hbm>>) target(%arg13 : memref<1xf32, #tpu.memory_space<vmem>>) target_semaphore(%arg21 : memref<!tpu.dma_semaphore, #tpu.memory_space<semaphore_mem>>)
    %broadcast_in_dim3A = arith.constant 0.000000e+00 : f32
    %broadcast_in_dim3A_16 = vector.broadcast %broadcast_in_dim3A : f32 to vector<16xf32>
    %parallel_loop3A = arith.constant 0 : i32
    %parallel_loop3A_17 = arith.constant 640 : i32
    %parallel_loop3A_18 = arith.constant 1 : i32
    scf.for %parallel_loop3A_116 = %parallel_loop3A to %parallel_loop3A_17 step %parallel_loop3A_18  : i32 {
      %parallel_loop3A_117 = arith.constant 16 : i32
      %parallel_loop3A_118 = arith.muli %parallel_loop3A_116, %parallel_loop3A_117 : i32
      %parallel_loop3A_119 = arith.index_cast %parallel_loop3A_118 : i32 to index
      %parallel_loop3A_120 = tpu.vector_load %arg10[%parallel_loop3A_119] {strides = array<i32>} : memref<10240xf32, #tpu.memory_space<vmem>>, vector<16xf32>,
      tpu.vector_store %arg10[%parallel_loop3A_119], %broadcast_in_dim3A_16 {strides = array<i32>} : memref<10240xf32, #tpu.memory_space<vmem>>, vector<16xf32>,
      %parallel_loop3A_121 = arith.constant 16 : i32
      %parallel_loop3A_122 = arith.muli %parallel_loop3A_116, %parallel_loop3A_121 : i32
      %parallel_loop3A_123 = arith.index_cast %parallel_loop3A_122 : i32 to index
      %parallel_loop3A_124 = tpu.vector_load %arg11[%parallel_loop3A_123] {strides = array<i32>} : memref<10240xf32, #tpu.memory_space<vmem>>, vector<16xf32>,
      tpu.vector_store %arg11[%parallel_loop3A_123], %broadcast_in_dim3A_16 {strides = array<i32>} : memref<10240xf32, #tpu.memory_space<vmem>>, vector<16xf32>,
    } {sc.loop_unroll_factor = 4 : i64, sc.parallel_access}
    %dma_wait3A = arith.constant 0 : i32
    %dma_wait3A_19 = tpu.memref_slice %arg3[%dma_wait3A, %multiple_of3A] : memref<2x320000xi32, #tpu.memory_space<hbm>> -> memref<2x10240xi32, #tpu.memory_space<hbm>>
    %dma_wait3A_20 = arith.constant 0 : i32
    %dma_wait3A_21 = tpu.memref_slice %arg3[%dma_wait3A_20, %multiple_of3A] : memref<2x320000xi32, #tpu.memory_space<hbm>> -> memref<2x10240xi32, #tpu.memory_space<hbm>>
    tpu.wait_dma2 semaphore(%arg18 : memref<!tpu.dma_semaphore, #tpu.memory_space<semaphore_mem>>) src(%dma_wait3A_21 : memref<2x10240xi32, #tpu.memory_space<hbm>>) dst(%arg9 : memref<2x10240xi32, #tpu.memory_space<vmem>>)
    %dma_wait3A_22 = arith.constant 0 : i32
    %dma_wait3A_23 = arith.constant 0 : i32
    %dma_wait3A_24 = tpu.memref_slice %arg2[%dma_wait3A_22, %dma_wait3A_23] : memref<1x10000xf32, #tpu.memory_space<hbm>> -> memref<1x10000xf32, #tpu.memory_space<hbm>>
    %dma_wait3A_25 = tpu.memref_squeeze %dma_wait3A_24 : memref<1x10000xf32, #tpu.memory_space<hbm>> -> memref<10000xf32, #tpu.memory_space<hbm>>
    %dma_wait3A_26 = arith.constant 0 : i32
    %dma_wait3A_27 = tpu.memref_slice %arg2[%dma_wait3A_22, %dma_wait3A_26] : memref<1x10000xf32, #tpu.memory_space<hbm>> -> memref<1x10000xf32, #tpu.memory_space<hbm>>
    %dma_wait3A_28 = tpu.memref_squeeze %dma_wait3A_27 : memref<1x10000xf32, #tpu.memory_space<hbm>> -> memref<10000xf32, #tpu.memory_space<hbm>>
    tpu.wait_dma2 semaphore(%arg19 : memref<!tpu.dma_semaphore, #tpu.memory_space<semaphore_mem>>) src(%dma_wait3A_28 : memref<10000xf32, #tpu.memory_space<hbm>>) dst(%arg8 : memref<10000xf32, #tpu.memory_space<vmem>>)
    tpu.wait_dma2 semaphore(%arg20 : memref<!tpu.dma_semaphore, #tpu.memory_space<semaphore_mem>>) src(%arg4 : memref<1xf32, #tpu.memory_space<hbm>>) dst(%arg12 : memref<1xf32, #tpu.memory_space<vmem>>)
    tpu.wait_dma2 semaphore(%arg21 : memref<!tpu.dma_semaphore, #tpu.memory_space<semaphore_mem>>) src(%arg5 : memref<1xf32, #tpu.memory_space<hbm>>) dst(%arg13 : memref<1xf32, #tpu.memory_space<vmem>>)
    %broadcast_in_dim3A_29 = arith.constant 0 : i32
    %broadcast_in_dim3A_30 = vector.broadcast %broadcast_in_dim3A_29 : i32 to vector<16xi32>
    %gather3A = tpu.vector_load_idx %arg12[%broadcast_in_dim3A_30] : memref<1xf32, #tpu.memory_space<vmem>>[vector<16xi32>], vector<16xf32>,
    %gather3A_31 = tpu.vector_load_idx %arg13[%broadcast_in_dim3A_30] : memref<1xf32, #tpu.memory_space<vmem>>[vector<16xi32>], vector<16xf32>,
    %add3A_32 = arith.addf %gather3A, %gather3A_31 : vector<16xf32>
    %parallel_loop3A_33 = arith.constant 0 : i32
    %parallel_loop3A_34 = arith.constant 625 : i32
    %parallel_loop3A_35 = arith.constant 1 : i32
    scf.for %parallel_loop3A_116 = %parallel_loop3A_33 to %parallel_loop3A_34 step %parallel_loop3A_35  : i32 {
      %parallel_loop3A_117 = arith.constant 16 : i32
      %parallel_loop3A_118 = arith.muli %parallel_loop3A_116, %parallel_loop3A_117 : i32
      %parallel_loop3A_119 = arith.addi %sub3A_5, %parallel_loop3A_118 : i32
      %parallel_loop3A_120 = arith.constant 0 : i32
      %parallel_loop3A_121 = arith.index_cast %parallel_loop3A_120 : i32 to index
      %parallel_loop3A_122 = arith.index_cast %parallel_loop3A_119 : i32 to index
      %parallel_loop3A_123 = tpu.vector_load %arg9[%parallel_loop3A_121, %parallel_loop3A_122] {strides = array<i32>} : memref<2x10240xi32, #tpu.memory_space<vmem>>, vector<16xi32>,
      %parallel_loop3A_124 = arith.constant 16 : i32
      %parallel_loop3A_125 = arith.muli %parallel_loop3A_116, %parallel_loop3A_124 : i32
      %parallel_loop3A_126 = arith.addi %sub3A_5, %parallel_loop3A_125 : i32
      %parallel_loop3A_127 = arith.constant 1 : i32
      %parallel_loop3A_128 = arith.index_cast %parallel_loop3A_127 : i32 to index
      %parallel_loop3A_129 = arith.index_cast %parallel_loop3A_126 : i32 to index
      %parallel_loop3A_130 = tpu.vector_load %arg9[%parallel_loop3A_128, %parallel_loop3A_129] {strides = array<i32>} : memref<2x10240xi32, #tpu.memory_space<vmem>>, vector<16xi32>,
      %parallel_loop3A_131 = tpu.vector_load_idx %arg8[%parallel_loop3A_123] : memref<10000xf32, #tpu.memory_space<vmem>>[vector<16xi32>], vector<16xf32>,
      %parallel_loop3A_132 = tpu.vector_load_idx %arg8[%parallel_loop3A_130] : memref<10000xf32, #tpu.memory_space<vmem>>[vector<16xi32>], vector<16xf32>,
      %parallel_loop3A_133 = arith.mulf %gather3A, %parallel_loop3A_131 : vector<16xf32>
      %parallel_loop3A_134 = arith.mulf %gather3A_31, %parallel_loop3A_132 : vector<16xf32>
      %parallel_loop3A_135 = arith.addf %parallel_loop3A_133, %parallel_loop3A_134 : vector<16xf32>
      %parallel_loop3A_136 = arith.constant 0.000000e+00 : f32
      %parallel_loop3A_137 = vector.broadcast %parallel_loop3A_136 : f32 to vector<16xf32>
      %parallel_loop3A_138 = arith.cmpf olt, %parallel_loop3A_135, %parallel_loop3A_137 : vector<16xf32>
      %parallel_loop3A_139 = arith.constant 2.000000e-01 : f32
      %parallel_loop3A_140 = vector.broadcast %parallel_loop3A_139 : f32 to vector<16xf32>
      %parallel_loop3A_141 = arith.mulf %parallel_loop3A_135, %parallel_loop3A_140 : vector<16xf32>
      %parallel_loop3A_142 = arith.select %parallel_loop3A_138, %parallel_loop3A_141, %parallel_loop3A_135 : vector<16xi1>, vector<16xf32>
      %parallel_loop3A_143 = arith.mulf %add3A_32, %parallel_loop3A_132 : vector<16xf32>
      %parallel_loop3A_144 = arith.constant 0.000000e+00 : f32
      %parallel_loop3A_145 = vector.broadcast %parallel_loop3A_144 : f32 to vector<16xf32>
      %parallel_loop3A_146 = arith.cmpf olt, %parallel_loop3A_143, %parallel_loop3A_145 : vector<16xf32>
      %parallel_loop3A_147 = arith.constant 2.000000e-01 : f32
      %parallel_loop3A_148 = vector.broadcast %parallel_loop3A_147 : f32 to vector<16xf32>
      %parallel_loop3A_149 = arith.mulf %parallel_loop3A_143, %parallel_loop3A_148 : vector<16xf32>
      %parallel_loop3A_150 = arith.select %parallel_loop3A_146, %parallel_loop3A_149, %parallel_loop3A_143 : vector<16xi1>, vector<16xf32>
      %parallel_loop3A_151 = arith.subf %parallel_loop3A_142, %parallel_loop3A_150 : vector<16xf32>
      %parallel_loop3A_152 = math.exp %parallel_loop3A_151 : vector<16xf32>
      tpu.vector_store_idx %arg11[%parallel_loop3A_130], %parallel_loop3A_152 {add = true} : memref<10240xf32, #tpu.memory_space<vmem>>[vector<16xi32>], vector<16xf32>,
      %parallel_loop3A_153 = arith.mulf %parallel_loop3A_152, %parallel_loop3A_131 : vector<16xf32>
      tpu.vector_store_idx %arg10[%parallel_loop3A_130], %parallel_loop3A_153 {add = true} : memref<10240xf32, #tpu.memory_space<vmem>>[vector<16xi32>], vector<16xf32>,
    } {sc.loop_unroll_factor = 5 : i64, sc.parallel_access}
    %dma_start3A_36 = arith.constant 0 : i32
    %dma_start3A_37 = tpu.memref_slice %arg16[%arg1, %dma_start3A_36] : memref<16x10240xf32, #tpu.memory_space<vmem_shared>> -> memref<1x10240xf32, #tpu.memory_space<vmem_shared>>
    %dma_start3A_38 = tpu.memref_squeeze %dma_start3A_37 : memref<1x10240xf32, #tpu.memory_space<vmem_shared>> -> memref<10240xf32, #tpu.memory_space<vmem_shared>>
    %dma_start3A_39 = arith.constant 0 : i32
    %dma_start3A_40 = tpu.memref_slice %arg16[%arg1, %dma_start3A_39] : memref<16x10240xf32, #tpu.memory_space<vmem_shared>> -> memref<1x10240xf32, #tpu.memory_space<vmem_shared>>
    %dma_start3A_41 = tpu.memref_squeeze %dma_start3A_40 : memref<1x10240xf32, #tpu.memory_space<vmem_shared>> -> memref<10240xf32, #tpu.memory_space<vmem_shared>>
    tpu.enqueue_dma source(%arg10 : memref<10240xf32, #tpu.memory_space<vmem>>) target(%dma_start3A_41 : memref<10240xf32, #tpu.memory_space<vmem_shared>>) target_semaphore(%arg18 : memref<!tpu.dma_semaphore, #tpu.memory_space<semaphore_mem>>)
    %dma_start3A_42 = arith.constant 0 : i32
    %dma_start3A_43 = tpu.memref_slice %arg17[%arg1, %dma_start3A_42] : memref<16x10240xf32, #tpu.memory_space<vmem_shared>> -> memref<1x10240xf32, #tpu.memory_space<vmem_shared>>
    %dma_start3A_44 = tpu.memref_squeeze %dma_start3A_43 : memref<1x10240xf32, #tpu.memory_space<vmem_shared>> -> memref<10240xf32, #tpu.memory_space<vmem_shared>>
    %dma_start3A_45 = arith.constant 0 : i32
    %dma_start3A_46 = tpu.memref_slice %arg17[%arg1, %dma_start3A_45] : memref<16x10240xf32, #tpu.memory_space<vmem_shared>> -> memref<1x10240xf32, #tpu.memory_space<vmem_shared>>
    %dma_start3A_47 = tpu.memref_squeeze %dma_start3A_46 : memref<1x10240xf32, #tpu.memory_space<vmem_shared>> -> memref<10240xf32, #tpu.memory_space<vmem_shared>>
    tpu.enqueue_dma source(%arg11 : memref<10240xf32, #tpu.memory_space<vmem>>) target(%dma_start3A_47 : memref<10240xf32, #tpu.memory_space<vmem_shared>>) target_semaphore(%arg19 : memref<!tpu.dma_semaphore, #tpu.memory_space<semaphore_mem>>)
    %dma_wait3A_48 = arith.constant 0 : i32
    %dma_wait3A_49 = tpu.memref_slice %arg16[%arg1, %dma_wait3A_48] : memref<16x10240xf32, #tpu.memory_space<vmem_shared>> -> memref<1x10240xf32, #tpu.memory_space<vmem_shared>>
    %dma_wait3A_50 = tpu.memref_squeeze %dma_wait3A_49 : memref<1x10240xf32, #tpu.memory_space<vmem_shared>> -> memref<10240xf32, #tpu.memory_space<vmem_shared>>
    %dma_wait3A_51 = arith.constant 0 : i32
    %dma_wait3A_52 = tpu.memref_slice %arg16[%arg1, %dma_wait3A_51] : memref<16x10240xf32, #tpu.memory_space<vmem_shared>> -> memref<1x10240xf32, #tpu.memory_space<vmem_shared>>
    %dma_wait3A_53 = tpu.memref_squeeze %dma_wait3A_52 : memref<1x10240xf32, #tpu.memory_space<vmem_shared>> -> memref<10240xf32, #tpu.memory_space<vmem_shared>>
    tpu.wait_dma2 semaphore(%arg18 : memref<!tpu.dma_semaphore, #tpu.memory_space<semaphore_mem>>) src(%arg10 : memref<10240xf32, #tpu.memory_space<vmem>>) dst(%dma_wait3A_53 : memref<10240xf32, #tpu.memory_space<vmem_shared>>)
    %dma_wait3A_54 = arith.constant 0 : i32
    %dma_wait3A_55 = tpu.memref_slice %arg17[%arg1, %dma_wait3A_54] : memref<16x10240xf32, #tpu.memory_space<vmem_shared>> -> memref<1x10240xf32, #tpu.memory_space<vmem_shared>>
    %dma_wait3A_56 = tpu.memref_squeeze %dma_wait3A_55 : memref<1x10240xf32, #tpu.memory_space<vmem_shared>> -> memref<10240xf32, #tpu.memory_space<vmem_shared>>
    %dma_wait3A_57 = arith.constant 0 : i32
    %dma_wait3A_58 = tpu.memref_slice %arg17[%arg1, %dma_wait3A_57] : memref<16x10240xf32, #tpu.memory_space<vmem_shared>> -> memref<1x10240xf32, #tpu.memory_space<vmem_shared>>
    %dma_wait3A_59 = tpu.memref_squeeze %dma_wait3A_58 : memref<1x10240xf32, #tpu.memory_space<vmem_shared>> -> memref<10240xf32, #tpu.memory_space<vmem_shared>>
    tpu.wait_dma2 semaphore(%arg19 : memref<!tpu.dma_semaphore, #tpu.memory_space<semaphore_mem>>) src(%arg11 : memref<10240xf32, #tpu.memory_space<vmem>>) dst(%dma_wait3A_59 : memref<10240xf32, #tpu.memory_space<vmem_shared>>)
    %barrier3A = arith.constant 0 : index
    tpu.barrier barrier_id(%barrier3A)
    %mul3A_60 = arith.constant 640 : i32
    %mul3A_61 = arith.muli %arg1, %mul3A_60 : i32
    %dma_start3A_62 = arith.constant 0 : i32
    %dma_start3A_63 = tpu.memref_slice %arg16[%dma_start3A_62, %mul3A_61] : memref<16x10240xf32, #tpu.memory_space<vmem_shared>> -> memref<16x640xf32, #tpu.memory_space<vmem_shared>>
    %dma_start3A_64 = arith.constant 0 : i32
    %dma_start3A_65 = tpu.memref_slice %arg16[%dma_start3A_64, %mul3A_61] : memref<16x10240xf32, #tpu.memory_space<vmem_shared>> -> memref<16x640xf32, #tpu.memory_space<vmem_shared>>
    tpu.enqueue_dma source(%dma_start3A_65 : memref<16x640xf32, #tpu.memory_space<vmem_shared>>) target(%arg14 : memref<16x640xf32, #tpu.memory_space<vmem>>) target_semaphore(%arg18 : memref<!tpu.dma_semaphore, #tpu.memory_space<semaphore_mem>>)
    %dma_start3A_66 = arith.constant 0 : i32
    %dma_start3A_67 = tpu.memref_slice %arg17[%dma_start3A_66, %mul3A_61] : memref<16x10240xf32, #tpu.memory_space<vmem_shared>> -> memref<16x640xf32, #tpu.memory_space<vmem_shared>>
    %dma_start3A_68 = arith.constant 0 : i32
    %dma_start3A_69 = tpu.memref_slice %arg17[%dma_start3A_68, %mul3A_61] : memref<16x10240xf32, #tpu.memory_space<vmem_shared>> -> memref<16x640xf32, #tpu.memory_space<vmem_shared>>
    tpu.enqueue_dma source(%dma_start3A_69 : memref<16x640xf32, #tpu.memory_space<vmem_shared>>) target(%arg15 : memref<16x640xf32, #tpu.memory_space<vmem>>) target_semaphore(%arg19 : memref<!tpu.dma_semaphore, #tpu.memory_space<semaphore_mem>>)
    %dma_wait3A_70 = arith.constant 0 : i32
    %dma_wait3A_71 = tpu.memref_slice %arg16[%dma_wait3A_70, %mul3A_61] : memref<16x10240xf32, #tpu.memory_space<vmem_shared>> -> memref<16x640xf32, #tpu.memory_space<vmem_shared>>
    %dma_wait3A_72 = arith.constant 0 : i32
    %dma_wait3A_73 = tpu.memref_slice %arg16[%dma_wait3A_72, %mul3A_61] : memref<16x10240xf32, #tpu.memory_space<vmem_shared>> -> memref<16x640xf32, #tpu.memory_space<vmem_shared>>
    tpu.wait_dma2 semaphore(%arg18 : memref<!tpu.dma_semaphore, #tpu.memory_space<semaphore_mem>>) src(%dma_wait3A_73 : memref<16x640xf32, #tpu.memory_space<vmem_shared>>) dst(%arg14 : memref<16x640xf32, #tpu.memory_space<vmem>>)
    %parallel_loop3A_74 = arith.constant 0 : i32
    %parallel_loop3A_75 = arith.constant 40 : i32
    %parallel_loop3A_76 = arith.constant 1 : i32
    scf.for %parallel_loop3A_116 = %parallel_loop3A_74 to %parallel_loop3A_75 step %parallel_loop3A_76  : i32 {
      %parallel_loop3A_117 = arith.constant 16 : i32
      %parallel_loop3A_118 = arith.muli %parallel_loop3A_116, %parallel_loop3A_117 : i32
      %parallel_loop3A_119 = arith.constant 0 : i32
      %parallel_loop3A_120 = arith.index_cast %parallel_loop3A_119 : i32 to index
      %parallel_loop3A_121 = arith.index_cast %parallel_loop3A_118 : i32 to index
      %parallel_loop3A_122 = tpu.vector_load %arg14[%parallel_loop3A_120, %parallel_loop3A_121] {strides = array<i32>} : memref<16x640xf32, #tpu.memory_space<vmem>>, vector<16xf32>,
      %parallel_loop3A_123 = arith.constant 16 : i32
      %parallel_loop3A_124 = arith.muli %parallel_loop3A_116, %parallel_loop3A_123 : i32
      %parallel_loop3A_125 = arith.constant 1 : i32
      %parallel_loop3A_126 = arith.index_cast %parallel_loop3A_125 : i32 to index
      %parallel_loop3A_127 = arith.index_cast %parallel_loop3A_124 : i32 to index
      %parallel_loop3A_128 = tpu.vector_load %arg14[%parallel_loop3A_126, %parallel_loop3A_127] {strides = array<i32>} : memref<16x640xf32, #tpu.memory_space<vmem>>, vector<16xf32>,
      %parallel_loop3A_129 = arith.addf %parallel_loop3A_122, %parallel_loop3A_128 : vector<16xf32>
      %parallel_loop3A_130 = arith.constant 16 : i32
      %parallel_loop3A_131 = arith.muli %parallel_loop3A_116, %parallel_loop3A_130 : i32
      %parallel_loop3A_132 = arith.constant 2 : i32
      %parallel_loop3A_133 = arith.index_cast %parallel_loop3A_132 : i32 to index
      %parallel_loop3A_134 = arith.index_cast %parallel_loop3A_131 : i32 to index
      %parallel_loop3A_135 = tpu.vector_load %arg14[%parallel_loop3A_133, %parallel_loop3A_134] {strides = array<i32>} : memref<16x640xf32, #tpu.memory_space<vmem>>, vector<16xf32>,
      %parallel_loop3A_136 = arith.addf %parallel_loop3A_129, %parallel_loop3A_135 : vector<16xf32>
      %parallel_loop3A_137 = arith.constant 16 : i32
      %parallel_loop3A_138 = arith.muli %parallel_loop3A_116, %parallel_loop3A_137 : i32
      %parallel_loop3A_139 = arith.constant 3 : i32
      %parallel_loop3A_140 = arith.index_cast %parallel_loop3A_139 : i32 to index
      %parallel_loop3A_141 = arith.index_cast %parallel_loop3A_138 : i32 to index
      %parallel_loop3A_142 = tpu.vector_load %arg14[%parallel_loop3A_140, %parallel_loop3A_141] {strides = array<i32>} : memref<16x640xf32, #tpu.memory_space<vmem>>, vector<16xf32>,
      %parallel_loop3A_143 = arith.addf %parallel_loop3A_136, %parallel_loop3A_142 : vector<16xf32>
      %parallel_loop3A_144 = arith.constant 16 : i32
      %parallel_loop3A_145 = arith.muli %parallel_loop3A_116, %parallel_loop3A_144 : i32
      %parallel_loop3A_146 = arith.constant 4 : i32
      %parallel_loop3A_147 = arith.index_cast %parallel_loop3A_146 : i32 to index
      %parallel_loop3A_148 = arith.index_cast %parallel_loop3A_145 : i32 to index
      %parallel_loop3A_149 = tpu.vector_load %arg14[%parallel_loop3A_147, %parallel_loop3A_148] {strides = array<i32>} : memref<16x640xf32, #tpu.memory_space<vmem>>, vector<16xf32>,
      %parallel_loop3A_150 = arith.addf %parallel_loop3A_143, %parallel_loop3A_149 : vector<16xf32>
      %parallel_loop3A_151 = arith.constant 16 : i32
      %parallel_loop3A_152 = arith.muli %parallel_loop3A_116, %parallel_loop3A_151 : i32
      %parallel_loop3A_153 = arith.constant 5 : i32
      %parallel_loop3A_154 = arith.index_cast %parallel_loop3A_153 : i32 to index
      %parallel_loop3A_155 = arith.index_cast %parallel_loop3A_152 : i32 to index
      %parallel_loop3A_156 = tpu.vector_load %arg14[%parallel_loop3A_154, %parallel_loop3A_155] {strides = array<i32>} : memref<16x640xf32, #tpu.memory_space<vmem>>, vector<16xf32>,
      %parallel_loop3A_157 = arith.addf %parallel_loop3A_150, %parallel_loop3A_156 : vector<16xf32>
      %parallel_loop3A_158 = arith.constant 16 : i32
      %parallel_loop3A_159 = arith.muli %parallel_loop3A_116, %parallel_loop3A_158 : i32
      %parallel_loop3A_160 = arith.constant 6 : i32
      %parallel_loop3A_161 = arith.index_cast %parallel_loop3A_160 : i32 to index
      %parallel_loop3A_162 = arith.index_cast %parallel_loop3A_159 : i32 to index
      %parallel_loop3A_163 = tpu.vector_load %arg14[%parallel_loop3A_161, %parallel_loop3A_162] {strides = array<i32>} : memref<16x640xf32, #tpu.memory_space<vmem>>, vector<16xf32>,
      %parallel_loop3A_164 = arith.addf %parallel_loop3A_157, %parallel_loop3A_163 : vector<16xf32>
      %parallel_loop3A_165 = arith.constant 16 : i32
      %parallel_loop3A_166 = arith.muli %parallel_loop3A_116, %parallel_loop3A_165 : i32
      %parallel_loop3A_167 = arith.constant 7 : i32
      %parallel_loop3A_168 = arith.index_cast %parallel_loop3A_167 : i32 to index
      %parallel_loop3A_169 = arith.index_cast %parallel_loop3A_166 : i32 to index
      %parallel_loop3A_170 = tpu.vector_load %arg14[%parallel_loop3A_168, %parallel_loop3A_169] {strides = array<i32>} : memref<16x640xf32, #tpu.memory_space<vmem>>, vector<16xf32>,
      %parallel_loop3A_171 = arith.addf %parallel_loop3A_164, %parallel_loop3A_170 : vector<16xf32>
      %parallel_loop3A_172 = arith.constant 16 : i32
      %parallel_loop3A_173 = arith.muli %parallel_loop3A_116, %parallel_loop3A_172 : i32
      %parallel_loop3A_174 = arith.constant 8 : i32
      %parallel_loop3A_175 = arith.index_cast %parallel_loop3A_174 : i32 to index
      %parallel_loop3A_176 = arith.index_cast %parallel_loop3A_173 : i32 to index
      %parallel_loop3A_177 = tpu.vector_load %arg14[%parallel_loop3A_175, %parallel_loop3A_176] {strides = array<i32>} : memref<16x640xf32, #tpu.memory_space<vmem>>, vector<16xf32>,
      %parallel_loop3A_178 = arith.addf %parallel_loop3A_171, %parallel_loop3A_177 : vector<16xf32>
      %parallel_loop3A_179 = arith.constant 16 : i32
      %parallel_loop3A_180 = arith.muli %parallel_loop3A_116, %parallel_loop3A_179 : i32
      %parallel_loop3A_181 = arith.constant 9 : i32
      %parallel_loop3A_182 = arith.index_cast %parallel_loop3A_181 : i32 to index
      %parallel_loop3A_183 = arith.index_cast %parallel_loop3A_180 : i32 to index
      %parallel_loop3A_184 = tpu.vector_load %arg14[%parallel_loop3A_182, %parallel_loop3A_183] {strides = array<i32>} : memref<16x640xf32, #tpu.memory_space<vmem>>, vector<16xf32>,
      %parallel_loop3A_185 = arith.addf %parallel_loop3A_178, %parallel_loop3A_184 : vector<16xf32>
      %parallel_loop3A_186 = arith.constant 16 : i32
      %parallel_loop3A_187 = arith.muli %parallel_loop3A_116, %parallel_loop3A_186 : i32
      %parallel_loop3A_188 = arith.constant 10 : i32
      %parallel_loop3A_189 = arith.index_cast %parallel_loop3A_188 : i32 to index
      %parallel_loop3A_190 = arith.index_cast %parallel_loop3A_187 : i32 to index
      %parallel_loop3A_191 = tpu.vector_load %arg14[%parallel_loop3A_189, %parallel_loop3A_190] {strides = array<i32>} : memref<16x640xf32, #tpu.memory_space<vmem>>, vector<16xf32>,
      %parallel_loop3A_192 = arith.addf %parallel_loop3A_185, %parallel_loop3A_191 : vector<16xf32>
      %parallel_loop3A_193 = arith.constant 16 : i32
      %parallel_loop3A_194 = arith.muli %parallel_loop3A_116, %parallel_loop3A_193 : i32
      %parallel_loop3A_195 = arith.constant 11 : i32
      %parallel_loop3A_196 = arith.index_cast %parallel_loop3A_195 : i32 to index
      %parallel_loop3A_197 = arith.index_cast %parallel_loop3A_194 : i32 to index
      %parallel_loop3A_198 = tpu.vector_load %arg14[%parallel_loop3A_196, %parallel_loop3A_197] {strides = array<i32>} : memref<16x640xf32, #tpu.memory_space<vmem>>, vector<16xf32>,
      %parallel_loop3A_199 = arith.addf %parallel_loop3A_192, %parallel_loop3A_198 : vector<16xf32>
      %parallel_loop3A_200 = arith.constant 16 : i32
      %parallel_loop3A_201 = arith.muli %parallel_loop3A_116, %parallel_loop3A_200 : i32
      %parallel_loop3A_202 = arith.constant 12 : i32
      %parallel_loop3A_203 = arith.index_cast %parallel_loop3A_202 : i32 to index
      %parallel_loop3A_204 = arith.index_cast %parallel_loop3A_201 : i32 to index
      %parallel_loop3A_205 = tpu.vector_load %arg14[%parallel_loop3A_203, %parallel_loop3A_204] {strides = array<i32>} : memref<16x640xf32, #tpu.memory_space<vmem>>, vector<16xf32>,
      %parallel_loop3A_206 = arith.addf %parallel_loop3A_199, %parallel_loop3A_205 : vector<16xf32>
      %parallel_loop3A_207 = arith.constant 16 : i32
      %parallel_loop3A_208 = arith.muli %parallel_loop3A_116, %parallel_loop3A_207 : i32
      %parallel_loop3A_209 = arith.constant 13 : i32
      %parallel_loop3A_210 = arith.index_cast %parallel_loop3A_209 : i32 to index
      %parallel_loop3A_211 = arith.index_cast %parallel_loop3A_208 : i32 to index
      %parallel_loop3A_212 = tpu.vector_load %arg14[%parallel_loop3A_210, %parallel_loop3A_211] {strides = array<i32>} : memref<16x640xf32, #tpu.memory_space<vmem>>, vector<16xf32>,
      %parallel_loop3A_213 = arith.addf %parallel_loop3A_206, %parallel_loop3A_212 : vector<16xf32>
      %parallel_loop3A_214 = arith.constant 16 : i32
      %parallel_loop3A_215 = arith.muli %parallel_loop3A_116, %parallel_loop3A_214 : i32
      %parallel_loop3A_216 = arith.constant 14 : i32
      %parallel_loop3A_217 = arith.index_cast %parallel_loop3A_216 : i32 to index
      %parallel_loop3A_218 = arith.index_cast %parallel_loop3A_215 : i32 to index
      %parallel_loop3A_219 = tpu.vector_load %arg14[%parallel_loop3A_217, %parallel_loop3A_218] {strides = array<i32>} : memref<16x640xf32, #tpu.memory_space<vmem>>, vector<16xf32>,
      %parallel_loop3A_220 = arith.addf %parallel_loop3A_213, %parallel_loop3A_219 : vector<16xf32>
      %parallel_loop3A_221 = arith.constant 16 : i32
      %parallel_loop3A_222 = arith.muli %parallel_loop3A_116, %parallel_loop3A_221 : i32
      %parallel_loop3A_223 = arith.constant 15 : i32
      %parallel_loop3A_224 = arith.index_cast %parallel_loop3A_223 : i32 to index
      %parallel_loop3A_225 = arith.index_cast %parallel_loop3A_222 : i32 to index
      %parallel_loop3A_226 = tpu.vector_load %arg14[%parallel_loop3A_224, %parallel_loop3A_225] {strides = array<i32>} : memref<16x640xf32, #tpu.memory_space<vmem>>, vector<16xf32>,
      %parallel_loop3A_227 = arith.addf %parallel_loop3A_220, %parallel_loop3A_226 : vector<16xf32>
      %parallel_loop3A_228 = arith.constant 16 : i32
      %parallel_loop3A_229 = arith.muli %parallel_loop3A_116, %parallel_loop3A_228 : i32
      %parallel_loop3A_230 = arith.index_cast %parallel_loop3A_229 : i32 to index
      %parallel_loop3A_231 = tpu.vector_load %arg10[%parallel_loop3A_230] {strides = array<i32>} : memref<10240xf32, #tpu.memory_space<vmem>>, vector<16xf32>,
      tpu.vector_store %arg10[%parallel_loop3A_230], %parallel_loop3A_227 {strides = array<i32>} : memref<10240xf32, #tpu.memory_space<vmem>>, vector<16xf32>,
    } {sc.loop_unroll_factor = 4 : i64, sc.parallel_access}
    %dma_start3A_77 = arith.constant 0 : i32
    %dma_start3A_78 = tpu.memref_slice %arg10[%dma_start3A_77] : memref<10240xf32, #tpu.memory_space<vmem>> -> memref<640xf32, #tpu.memory_space<vmem>>
    %dma_start3A_79 = tpu.memref_slice %arg6[%arg0, %mul3A_61] : memref<2x10240xf32, #tpu.memory_space<hbm>> -> memref<1x640xf32, #tpu.memory_space<hbm>>
    %dma_start3A_80 = tpu.memref_squeeze %dma_start3A_79 : memref<1x640xf32, #tpu.memory_space<hbm>> -> memref<640xf32, #tpu.memory_space<hbm>>
    %dma_start3A_81 = tpu.memref_slice %arg6[%arg0, %mul3A_61] : memref<2x10240xf32, #tpu.memory_space<hbm>> -> memref<1x640xf32, #tpu.memory_space<hbm>>
    %dma_start3A_82 = tpu.memref_squeeze %dma_start3A_81 : memref<1x640xf32, #tpu.memory_space<hbm>> -> memref<640xf32, #tpu.memory_space<hbm>>
    %dma_start3A_83 = arith.constant 0 : i32
    %dma_start3A_84 = tpu.memref_slice %arg10[%dma_start3A_83] : memref<10240xf32, #tpu.memory_space<vmem>> -> memref<640xf32, #tpu.memory_space<vmem>>
    tpu.enqueue_dma source(%dma_start3A_84 : memref<640xf32, #tpu.memory_space<vmem>>) target(%dma_start3A_82 : memref<640xf32, #tpu.memory_space<hbm>>) target_semaphore(%arg20 : memref<!tpu.dma_semaphore, #tpu.memory_space<semaphore_mem>>)
    %dma_wait3A_85 = arith.constant 0 : i32
    %dma_wait3A_86 = tpu.memref_slice %arg17[%dma_wait3A_85, %mul3A_61] : memref<16x10240xf32, #tpu.memory_space<vmem_shared>> -> memref<16x640xf32, #tpu.memory_space<vmem_shared>>
    %dma_wait3A_87 = arith.constant 0 : i32
    %dma_wait3A_88 = tpu.memref_slice %arg17[%dma_wait3A_87, %mul3A_61] : memref<16x10240xf32, #tpu.memory_space<vmem_shared>> -> memref<16x640xf32, #tpu.memory_space<vmem_shared>>
    tpu.wait_dma2 semaphore(%arg19 : memref<!tpu.dma_semaphore, #tpu.memory_space<semaphore_mem>>) src(%dma_wait3A_88 : memref<16x640xf32, #tpu.memory_space<vmem_shared>>) dst(%arg15 : memref<16x640xf32, #tpu.memory_space<vmem>>)
    %parallel_loop3A_89 = arith.constant 0 : i32
    %parallel_loop3A_90 = arith.constant 40 : i32
    %parallel_loop3A_91 = arith.constant 1 : i32
    scf.for %parallel_loop3A_116 = %parallel_loop3A_89 to %parallel_loop3A_90 step %parallel_loop3A_91  : i32 {
      %parallel_loop3A_117 = arith.constant 16 : i32
      %parallel_loop3A_118 = arith.muli %parallel_loop3A_116, %parallel_loop3A_117 : i32
      %parallel_loop3A_119 = arith.constant 0 : i32
      %parallel_loop3A_120 = arith.index_cast %parallel_loop3A_119 : i32 to index
      %parallel_loop3A_121 = arith.index_cast %parallel_loop3A_118 : i32 to index
      %parallel_loop3A_122 = tpu.vector_load %arg15[%parallel_loop3A_120, %parallel_loop3A_121] {strides = array<i32>} : memref<16x640xf32, #tpu.memory_space<vmem>>, vector<16xf32>,
      %parallel_loop3A_123 = arith.constant 16 : i32
      %parallel_loop3A_124 = arith.muli %parallel_loop3A_116, %parallel_loop3A_123 : i32
      %parallel_loop3A_125 = arith.constant 1 : i32
      %parallel_loop3A_126 = arith.index_cast %parallel_loop3A_125 : i32 to index
      %parallel_loop3A_127 = arith.index_cast %parallel_loop3A_124 : i32 to index
      %parallel_loop3A_128 = tpu.vector_load %arg15[%parallel_loop3A_126, %parallel_loop3A_127] {strides = array<i32>} : memref<16x640xf32, #tpu.memory_space<vmem>>, vector<16xf32>,
      %parallel_loop3A_129 = arith.addf %parallel_loop3A_122, %parallel_loop3A_128 : vector<16xf32>
      %parallel_loop3A_130 = arith.constant 16 : i32
      %parallel_loop3A_131 = arith.muli %parallel_loop3A_116, %parallel_loop3A_130 : i32
      %parallel_loop3A_132 = arith.constant 2 : i32
      %parallel_loop3A_133 = arith.index_cast %parallel_loop3A_132 : i32 to index
      %parallel_loop3A_134 = arith.index_cast %parallel_loop3A_131 : i32 to index
      %parallel_loop3A_135 = tpu.vector_load %arg15[%parallel_loop3A_133, %parallel_loop3A_134] {strides = array<i32>} : memref<16x640xf32, #tpu.memory_space<vmem>>, vector<16xf32>,
      %parallel_loop3A_136 = arith.addf %parallel_loop3A_129, %parallel_loop3A_135 : vector<16xf32>
      %parallel_loop3A_137 = arith.constant 16 : i32
      %parallel_loop3A_138 = arith.muli %parallel_loop3A_116, %parallel_loop3A_137 : i32
      %parallel_loop3A_139 = arith.constant 3 : i32
      %parallel_loop3A_140 = arith.index_cast %parallel_loop3A_139 : i32 to index
      %parallel_loop3A_141 = arith.index_cast %parallel_loop3A_138 : i32 to index
      %parallel_loop3A_142 = tpu.vector_load %arg15[%parallel_loop3A_140, %parallel_loop3A_141] {strides = array<i32>} : memref<16x640xf32, #tpu.memory_space<vmem>>, vector<16xf32>,
      %parallel_loop3A_143 = arith.addf %parallel_loop3A_136, %parallel_loop3A_142 : vector<16xf32>
      %parallel_loop3A_144 = arith.constant 16 : i32
      %parallel_loop3A_145 = arith.muli %parallel_loop3A_116, %parallel_loop3A_144 : i32
      %parallel_loop3A_146 = arith.constant 4 : i32
      %parallel_loop3A_147 = arith.index_cast %parallel_loop3A_146 : i32 to index
      %parallel_loop3A_148 = arith.index_cast %parallel_loop3A_145 : i32 to index
      %parallel_loop3A_149 = tpu.vector_load %arg15[%parallel_loop3A_147, %parallel_loop3A_148] {strides = array<i32>} : memref<16x640xf32, #tpu.memory_space<vmem>>, vector<16xf32>,
      %parallel_loop3A_150 = arith.addf %parallel_loop3A_143, %parallel_loop3A_149 : vector<16xf32>
      %parallel_loop3A_151 = arith.constant 16 : i32
      %parallel_loop3A_152 = arith.muli %parallel_loop3A_116, %parallel_loop3A_151 : i32
      %parallel_loop3A_153 = arith.constant 5 : i32
      %parallel_loop3A_154 = arith.index_cast %parallel_loop3A_153 : i32 to index
      %parallel_loop3A_155 = arith.index_cast %parallel_loop3A_152 : i32 to index
      %parallel_loop3A_156 = tpu.vector_load %arg15[%parallel_loop3A_154, %parallel_loop3A_155] {strides = array<i32>} : memref<16x640xf32, #tpu.memory_space<vmem>>, vector<16xf32>,
      %parallel_loop3A_157 = arith.addf %parallel_loop3A_150, %parallel_loop3A_156 : vector<16xf32>
      %parallel_loop3A_158 = arith.constant 16 : i32
      %parallel_loop3A_159 = arith.muli %parallel_loop3A_116, %parallel_loop3A_158 : i32
      %parallel_loop3A_160 = arith.constant 6 : i32
      %parallel_loop3A_161 = arith.index_cast %parallel_loop3A_160 : i32 to index
      %parallel_loop3A_162 = arith.index_cast %parallel_loop3A_159 : i32 to index
      %parallel_loop3A_163 = tpu.vector_load %arg15[%parallel_loop3A_161, %parallel_loop3A_162] {strides = array<i32>} : memref<16x640xf32, #tpu.memory_space<vmem>>, vector<16xf32>,
      %parallel_loop3A_164 = arith.addf %parallel_loop3A_157, %parallel_loop3A_163 : vector<16xf32>
      %parallel_loop3A_165 = arith.constant 16 : i32
      %parallel_loop3A_166 = arith.muli %parallel_loop3A_116, %parallel_loop3A_165 : i32
      %parallel_loop3A_167 = arith.constant 7 : i32
      %parallel_loop3A_168 = arith.index_cast %parallel_loop3A_167 : i32 to index
      %parallel_loop3A_169 = arith.index_cast %parallel_loop3A_166 : i32 to index
      %parallel_loop3A_170 = tpu.vector_load %arg15[%parallel_loop3A_168, %parallel_loop3A_169] {strides = array<i32>} : memref<16x640xf32, #tpu.memory_space<vmem>>, vector<16xf32>,
      %parallel_loop3A_171 = arith.addf %parallel_loop3A_164, %parallel_loop3A_170 : vector<16xf32>
      %parallel_loop3A_172 = arith.constant 16 : i32
      %parallel_loop3A_173 = arith.muli %parallel_loop3A_116, %parallel_loop3A_172 : i32
      %parallel_loop3A_174 = arith.constant 8 : i32
      %parallel_loop3A_175 = arith.index_cast %parallel_loop3A_174 : i32 to index
      %parallel_loop3A_176 = arith.index_cast %parallel_loop3A_173 : i32 to index
      %parallel_loop3A_177 = tpu.vector_load %arg15[%parallel_loop3A_175, %parallel_loop3A_176] {strides = array<i32>} : memref<16x640xf32, #tpu.memory_space<vmem>>, vector<16xf32>,
      %parallel_loop3A_178 = arith.addf %parallel_loop3A_171, %parallel_loop3A_177 : vector<16xf32>
      %parallel_loop3A_179 = arith.constant 16 : i32
      %parallel_loop3A_180 = arith.muli %parallel_loop3A_116, %parallel_loop3A_179 : i32
      %parallel_loop3A_181 = arith.constant 9 : i32
      %parallel_loop3A_182 = arith.index_cast %parallel_loop3A_181 : i32 to index
      %parallel_loop3A_183 = arith.index_cast %parallel_loop3A_180 : i32 to index
      %parallel_loop3A_184 = tpu.vector_load %arg15[%parallel_loop3A_182, %parallel_loop3A_183] {strides = array<i32>} : memref<16x640xf32, #tpu.memory_space<vmem>>, vector<16xf32>,
      %parallel_loop3A_185 = arith.addf %parallel_loop3A_178, %parallel_loop3A_184 : vector<16xf32>
      %parallel_loop3A_186 = arith.constant 16 : i32
      %parallel_loop3A_187 = arith.muli %parallel_loop3A_116, %parallel_loop3A_186 : i32
      %parallel_loop3A_188 = arith.constant 10 : i32
      %parallel_loop3A_189 = arith.index_cast %parallel_loop3A_188 : i32 to index
      %parallel_loop3A_190 = arith.index_cast %parallel_loop3A_187 : i32 to index
      %parallel_loop3A_191 = tpu.vector_load %arg15[%parallel_loop3A_189, %parallel_loop3A_190] {strides = array<i32>} : memref<16x640xf32, #tpu.memory_space<vmem>>, vector<16xf32>,
      %parallel_loop3A_192 = arith.addf %parallel_loop3A_185, %parallel_loop3A_191 : vector<16xf32>
      %parallel_loop3A_193 = arith.constant 16 : i32
      %parallel_loop3A_194 = arith.muli %parallel_loop3A_116, %parallel_loop3A_193 : i32
      %parallel_loop3A_195 = arith.constant 11 : i32
      %parallel_loop3A_196 = arith.index_cast %parallel_loop3A_195 : i32 to index
      %parallel_loop3A_197 = arith.index_cast %parallel_loop3A_194 : i32 to index
      %parallel_loop3A_198 = tpu.vector_load %arg15[%parallel_loop3A_196, %parallel_loop3A_197] {strides = array<i32>} : memref<16x640xf32, #tpu.memory_space<vmem>>, vector<16xf32>,
      %parallel_loop3A_199 = arith.addf %parallel_loop3A_192, %parallel_loop3A_198 : vector<16xf32>
      %parallel_loop3A_200 = arith.constant 16 : i32
      %parallel_loop3A_201 = arith.muli %parallel_loop3A_116, %parallel_loop3A_200 : i32
      %parallel_loop3A_202 = arith.constant 12 : i32
      %parallel_loop3A_203 = arith.index_cast %parallel_loop3A_202 : i32 to index
      %parallel_loop3A_204 = arith.index_cast %parallel_loop3A_201 : i32 to index
      %parallel_loop3A_205 = tpu.vector_load %arg15[%parallel_loop3A_203, %parallel_loop3A_204] {strides = array<i32>} : memref<16x640xf32, #tpu.memory_space<vmem>>, vector<16xf32>,
      %parallel_loop3A_206 = arith.addf %parallel_loop3A_199, %parallel_loop3A_205 : vector<16xf32>
      %parallel_loop3A_207 = arith.constant 16 : i32
      %parallel_loop3A_208 = arith.muli %parallel_loop3A_116, %parallel_loop3A_207 : i32
      %parallel_loop3A_209 = arith.constant 13 : i32
      %parallel_loop3A_210 = arith.index_cast %parallel_loop3A_209 : i32 to index
      %parallel_loop3A_211 = arith.index_cast %parallel_loop3A_208 : i32 to index
      %parallel_loop3A_212 = tpu.vector_load %arg15[%parallel_loop3A_210, %parallel_loop3A_211] {strides = array<i32>} : memref<16x640xf32, #tpu.memory_space<vmem>>, vector<16xf32>,
      %parallel_loop3A_213 = arith.addf %parallel_loop3A_206, %parallel_loop3A_212 : vector<16xf32>
      %parallel_loop3A_214 = arith.constant 16 : i32
      %parallel_loop3A_215 = arith.muli %parallel_loop3A_116, %parallel_loop3A_214 : i32
      %parallel_loop3A_216 = arith.constant 14 : i32
      %parallel_loop3A_217 = arith.index_cast %parallel_loop3A_216 : i32 to index
      %parallel_loop3A_218 = arith.index_cast %parallel_loop3A_215 : i32 to index
      %parallel_loop3A_219 = tpu.vector_load %arg15[%parallel_loop3A_217, %parallel_loop3A_218] {strides = array<i32>} : memref<16x640xf32, #tpu.memory_space<vmem>>, vector<16xf32>,
      %parallel_loop3A_220 = arith.addf %parallel_loop3A_213, %parallel_loop3A_219 : vector<16xf32>
      %parallel_loop3A_221 = arith.constant 16 : i32
      %parallel_loop3A_222 = arith.muli %parallel_loop3A_116, %parallel_loop3A_221 : i32
      %parallel_loop3A_223 = arith.constant 15 : i32
      %parallel_loop3A_224 = arith.index_cast %parallel_loop3A_223 : i32 to index
      %parallel_loop3A_225 = arith.index_cast %parallel_loop3A_222 : i32 to index
      %parallel_loop3A_226 = tpu.vector_load %arg15[%parallel_loop3A_224, %parallel_loop3A_225] {strides = array<i32>} : memref<16x640xf32, #tpu.memory_space<vmem>>, vector<16xf32>,
      %parallel_loop3A_227 = arith.addf %parallel_loop3A_220, %parallel_loop3A_226 : vector<16xf32>
      %parallel_loop3A_228 = arith.constant 16 : i32
      %parallel_loop3A_229 = arith.muli %parallel_loop3A_116, %parallel_loop3A_228 : i32
      %parallel_loop3A_230 = arith.index_cast %parallel_loop3A_229 : i32 to index
      %parallel_loop3A_231 = tpu.vector_load %arg11[%parallel_loop3A_230] {strides = array<i32>} : memref<10240xf32, #tpu.memory_space<vmem>>, vector<16xf32>,
      tpu.vector_store %arg11[%parallel_loop3A_230], %parallel_loop3A_227 {strides = array<i32>} : memref<10240xf32, #tpu.memory_space<vmem>>, vector<16xf32>,
    } {sc.loop_unroll_factor = 4 : i64, sc.parallel_access}
    %dma_start3A_92 = arith.constant 0 : i32
    %dma_start3A_93 = tpu.memref_slice %arg11[%dma_start3A_92] : memref<10240xf32, #tpu.memory_space<vmem>> -> memref<640xf32, #tpu.memory_space<vmem>>
    %dma_start3A_94 = tpu.memref_slice %arg7[%arg0, %mul3A_61] : memref<2x10240xf32, #tpu.memory_space<hbm>> -> memref<1x640xf32, #tpu.memory_space<hbm>>
    %dma_start3A_95 = tpu.memref_squeeze %dma_start3A_94 : memref<1x640xf32, #tpu.memory_space<hbm>> -> memref<640xf32, #tpu.memory_space<hbm>>
    %dma_start3A_96 = tpu.memref_slice %arg7[%arg0, %mul3A_61] : memref<2x10240xf32, #tpu.memory_space<hbm>> -> memref<1x640xf32, #tpu.memory_space<hbm>>
    %dma_start3A_97 = tpu.memref_squeeze %dma_start3A_96 : memref<1x640xf32, #tpu.memory_space<hbm>> -> memref<640xf32, #tpu.memory_space<hbm>>
    %dma_start3A_98 = arith.constant 0 : i32
    %dma_start3A_99 = tpu.memref_slice %arg11[%dma_start3A_98] : memref<10240xf32, #tpu.memory_space<vmem>> -> memref<640xf32, #tpu.memory_space<vmem>>
    tpu.enqueue_dma source(%dma_start3A_99 : memref<640xf32, #tpu.memory_space<vmem>>) target(%dma_start3A_97 : memref<640xf32, #tpu.memory_space<hbm>>) target_semaphore(%arg21 : memref<!tpu.dma_semaphore, #tpu.memory_space<semaphore_mem>>)
    %dma_wait3A_100 = arith.constant 0 : i32
    %dma_wait3A_101 = tpu.memref_slice %arg10[%dma_wait3A_100] : memref<10240xf32, #tpu.memory_space<vmem>> -> memref<640xf32, #tpu.memory_space<vmem>>
    %dma_wait3A_102 = tpu.memref_slice %arg6[%arg0, %mul3A_61] : memref<2x10240xf32, #tpu.memory_space<hbm>> -> memref<1x640xf32, #tpu.memory_space<hbm>>
    %dma_wait3A_103 = tpu.memref_squeeze %dma_wait3A_102 : memref<1x640xf32, #tpu.memory_space<hbm>> -> memref<640xf32, #tpu.memory_space<hbm>>
    %dma_wait3A_104 = tpu.memref_slice %arg6[%arg0, %mul3A_61] : memref<2x10240xf32, #tpu.memory_space<hbm>> -> memref<1x640xf32, #tpu.memory_space<hbm>>
    %dma_wait3A_105 = tpu.memref_squeeze %dma_wait3A_104 : memref<1x640xf32, #tpu.memory_space<hbm>> -> memref<640xf32, #tpu.memory_space<hbm>>
    %dma_wait3A_106 = arith.constant 0 : i32
    %dma_wait3A_107 = tpu.memref_slice %arg10[%dma_wait3A_106] : memref<10240xf32, #tpu.memory_space<vmem>> -> memref<640xf32, #tpu.memory_space<vmem>>
    tpu.wait_dma2 semaphore(%arg20 : memref<!tpu.dma_semaphore, #tpu.memory_space<semaphore_mem>>) src(%dma_wait3A_107 : memref<640xf32, #tpu.memory_space<vmem>>) dst(%dma_wait3A_105 : memref<640xf32, #tpu.memory_space<hbm>>)
    %dma_wait3A_108 = arith.constant 0 : i32
    %dma_wait3A_109 = tpu.memref_slice %arg11[%dma_wait3A_108] : memref<10240xf32, #tpu.memory_space<vmem>> -> memref<640xf32, #tpu.memory_space<vmem>>
    %dma_wait3A_110 = tpu.memref_slice %arg7[%arg0, %mul3A_61] : memref<2x10240xf32, #tpu.memory_space<hbm>> -> memref<1x640xf32, #tpu.memory_space<hbm>>
    %dma_wait3A_111 = tpu.memref_squeeze %dma_wait3A_110 : memref<1x640xf32, #tpu.memory_space<hbm>> -> memref<640xf32, #tpu.memory_space<hbm>>
    %dma_wait3A_112 = tpu.memref_slice %arg7[%arg0, %mul3A_61] : memref<2x10240xf32, #tpu.memory_space<hbm>> -> memref<1x640xf32, #tpu.memory_space<hbm>>
    %dma_wait3A_113 = tpu.memref_squeeze %dma_wait3A_112 : memref<1x640xf32, #tpu.memory_space<hbm>> -> memref<640xf32, #tpu.memory_space<hbm>>
    %dma_wait3A_114 = arith.constant 0 : i32
    %dma_wait3A_115 = tpu.memref_slice %arg11[%dma_wait3A_114] : memref<10240xf32, #tpu.memory_space<vmem>> -> memref<640xf32, #tpu.memory_space<vmem>>
    tpu.wait_dma2 semaphore(%arg21 : memref<!tpu.dma_semaphore, #tpu.memory_space<semaphore_mem>>) src(%dma_wait3A_115 : memref<640xf32, #tpu.memory_space<vmem>>) dst(%dma_wait3A_113 : memref<640xf32, #tpu.memory_space<hbm>>)
    return
  }
}

module attributes {stable_mosaic.version = 14 : i64} {
  func.func @_combine_body(%arg0: memref<1x10000xf32, #tpu.memory_space<vmem>>, %arg1: memref<2x10240xf32, #tpu.memory_space<vmem>>, %arg2: memref<2x10240xf32, #tpu.memory_space<vmem>>, %arg3: memref<1xf32, #tpu.memory_space<smem>>, %arg4: memref<10000xf32, #tpu.memory_space<vmem>>) attributes {dimension_semantics = [], scalar_prefetch = 0 : i64, scratch_operands = 0 : i64, tpu.core_type = #tpu.core_type<tc>} {
    %get3A = arith.constant 0 : index
    %get3A_0 = arith.constant 0 : index
    %get3A_1 = vector.load %arg0[%get3A, %get3A_0] : memref<1x10000xf32, #tpu.memory_space<vmem>>, vector<1x10000xf32>
    %get3A_2 = arith.constant 0 : index
    %get3A_3 = arith.constant 0 : index
    %get3A_4 = vector.load %arg1[%get3A_2, %get3A_3] : memref<2x10240xf32, #tpu.memory_space<vmem>>, vector<1x10000xf32>
    %add3A = arith.addf %get3A_1, %get3A_4 : vector<1x10000xf32>
    %get3A_5 = arith.constant 1 : index
    %get3A_6 = arith.constant 0 : index
    %get3A_7 = vector.load %arg1[%get3A_5, %get3A_6] : memref<2x10240xf32, #tpu.memory_space<vmem>>, vector<1x10000xf32>
    %add3A_8 = arith.addf %add3A, %get3A_7 : vector<1x10000xf32>
    %get3A_9 = arith.constant 0 : index
    %get3A_10 = arith.constant 0 : index
    %get3A_11 = vector.load %arg2[%get3A_9, %get3A_10] : memref<2x10240xf32, #tpu.memory_space<vmem>>, vector<1x10000xf32>
    %add3A_12 = arith.constant 1.000000e+00 : f32
    %add3A_13 = vector.broadcast %add3A_12 : f32 to vector<1x10000xf32>
    %add3A_14 = arith.addf %add3A_13, %get3A_11 : vector<1x10000xf32>
    %get3A_15 = arith.constant 1 : index
    %get3A_16 = arith.constant 0 : index
    %get3A_17 = vector.load %arg2[%get3A_15, %get3A_16] : memref<2x10240xf32, #tpu.memory_space<vmem>>, vector<1x10000xf32>
    %add3A_18 = arith.addf %add3A_14, %get3A_17 : vector<1x10000xf32>
    %add3A_19 = arith.constant 1.000000e-16 : f32
    %add3A_20 = vector.broadcast %add3A_19 : f32 to vector<1x10000xf32>
    %add3A_21 = arith.addf %add3A_18, %add3A_20 : vector<1x10000xf32>
    %div3A = arith.divf %add3A_8, %add3A_21 : vector<1x10000xf32>
    %get3A_22 = arith.constant 0 : index
    %get3A_23 = memref.load %arg3[%get3A_22] : memref<1xf32, #tpu.memory_space<smem>>
    %add3A_24 = vector.broadcast %get3A_23 : f32 to vector<1x10000xf32>
    %add3A_25 = arith.addf %div3A, %add3A_24 : vector<1x10000xf32>
    %squeeze3A = vector.shape_cast %add3A_25 : vector<1x10000xf32> to vector<10000xf32>
    %swap3A = arith.constant 0 : index
    %swap3A_26 = vector.load %arg4[%swap3A] : memref<10000xf32, #tpu.memory_space<vmem>>, vector<10000xf32>
    tpu.vector_store %arg4[%swap3A], %squeeze3A {strides = array<i32>} : memref<10000xf32, #tpu.memory_space<vmem>>, vector<10000xf32>,
    return
  }
}

module attributes {stable_mosaic.version = 14 : i64} {
  func.func @_matvec_body(%arg0: memref<128x10000xf32, #tpu.memory_space<vmem>>, %arg1: memref<128x1xf32, #tpu.memory_space<vmem>>, %arg2: memref<1x10000xf32, #tpu.memory_space<vmem>>) attributes {dimension_semantics = [], scalar_prefetch = 0 : i64, scratch_operands = 0 : i64, tpu.core_type = #tpu.core_type<tc>} {
    %get3A = arith.constant 0 : index
    %get3A_0 = arith.constant 0 : index
    %get3A_1 = vector.load %arg1[%get3A, %get3A_0] : memref<128x1xf32, #tpu.memory_space<vmem>>, vector<128x1xf32>
    %transpose3A = tpu.transpose %get3A_1, [1, 0] : vector<128x1xf32> -> vector<1x128xf32>
    %get3A_2 = arith.constant 0 : index
    %get3A_3 = arith.constant 0 : index
    %get3A_4 = vector.load %arg0[%get3A_2, %get3A_3] : memref<128x10000xf32, #tpu.memory_space<vmem>>, vector<128x10000xf32>
    %dot_general3A = arith.constant dense<0.000000e+00> : vector<1x10000xf32>
    %dot_general3A_5 = tpu.matmul %transpose3A, %get3A_4, %dot_general3A {dimension_numbers = #tpu.dot_dimension_numbers<[1], [0], [0], [1], [0, 0, 1, 1], [], []>, transpose_lhs_hint = false} : vector<1x128xf32>, vector<128x10000xf32>, vector<1x10000xf32> -> vector<1x10000xf32>
    %swap3A = arith.constant 0 : index
    %swap3A_6 = arith.constant 0 : index
    %swap3A_7 = vector.load %arg2[%swap3A, %swap3A_6] : memref<1x10000xf32, #tpu.memory_space<vmem>>, vector<1x10000xf32>
    tpu.vector_store %arg2[%swap3A, %swap3A_6], %dot_general3A_5 {strides = array<i32>} : memref<1x10000xf32, #tpu.memory_space<vmem>>, vector<1x10000xf32>,
    return
  }
}

</mosaic_0001>

<sc_bundles>
// kernel: kernel.5.cloned.1.call-start
scs
__scs_entry_jumppad:
0x0: {  	(pc) =	sbr.rel $0x88, $3  }
0x1: {  	(tag) =	ssettag $0x0;
	lr =	simm.s32 $0x1  }
0x2: {  	[smem:$0x3F9B] =	sst lr;
	_ =	strace $0xD0000000  }
0x3: {  	_ = 	snop  }
0x4: {  	_ = 	snop  }
0x5: {  	_ = 	snop  }
0x6: {  	_ = 	snop  }
0x7: {  	_ = 	snop  }
__scs_overlays_trampoline_lowered:
0x8: {  	[smem:$0x3FAA] =	sst s0  }
0x9: {  	[smem:$0x3FAB] =	sst s1  }
0xa: {  	[smem:$0x3FAC] =	sst s2  }
0xb: {  	[smem:$0x3FAD] =	sst s3  }
0xc: {  	[smem:$0x3FAE] =	sst s4  }
0xd: {  	[smem:$0x3FAF] =	sst s5  }
0xe: {  	[smem:$0x3FB0] =	sst s6  }
0xf: {  	[smem:$0x3FB1] =	sst s7  }
0x10: {  	[smem:$0x3FB2] =	sst s8  }
0x11: {  	[smem:$0x3FB3] =	sst s9;
	s0 =	simm.s32 @!p0 $0x0  }
0x12: {  	s1 =	sld [smem:$0x3F99];
	s0 =	simm.s32 @p0 $0x1  }
0x13: {  	[smem:$0x3FB4] =	sst s0;
	s0 =	simm.s32 @!p1 $0x0  }
0x14: {  	s2 =	sld [smem:$0x3F98];
	s0 =	simm.s32 @p1 $0x1  }
0x15: {  	[smem:$0x3FB5] =	sst s0;
	s0 =	simm.s32 @!p2 $0x0  }
0x16: {  	s3 =	sld [smem:$0x3FDB];
	s0 =	simm.s32 @p2 $0x1  }
0x17: {  	s4 =	simm.s32 $0x1BF5;
	[smem:$0x3FB7] =	sst s0  }
0x18: {  	s0 =	sld [smem:$0x3F9A];
	_ =	swait.ge [sflag:s4], $0x0  }
0x19: {  	s7 =	sld [smem:$0x3F9B]  }
0x1a: {  	s8 =	sadd.s32 $0xFFFFE003, lr  }
0x1b: {  	s9 =	sadd.s32 $0xFFFFFEF7, lr;
	s5 =	simm.s32 $0xFFFFFFFF;
	p2 =	slt.u32 s8, $0xFFFFF086  }
0x1c: {  	p1 =	slt.u32 s9, $0xF7A;
	s5 =	simm.s32 @!p2 $0x0  }
0x1d: {  	s5 =	simm.s32 @p1 $0x1;
	p0 =	seq.s32 s7, s2  }
0x1e: {  	s7 =	smul.u32 @!p0 $0xF7A, s2;
	p2 =	seq.s32 @!p0 s5, $0x0  }
0x1f: {  	s9 =	smul.u32 $0xF7A, s1;
	s8 =	simm.s32 @!p0 $0x1BF5;
	p2 =	por !p2, p0  }
0x20: {  	[sflag:s8] =	ssyncset.s32 @!p0 $0xFFFFF086;
	s6 =	sadd.s32 @!p0 s3, s7;
	s7 =	simm.s32 @!p0 $0x108  }
0x21: {  	s3 =	sadd.s32 s3, s9;
	s6 =	sadd.s32 @!p0 $0x88, s6;
	s7 =	simm.s32 @p2 $0x1082  }
0x22: {  	[simem:s7], [sflag:s8] =	dma.local @!p0 [hbm:s6], $0xF7A  }
0x23: {  	s9 =	sor.u32 $0xD0000000, s2;
	s6 =	simm.s32 $0x108;
	_ =	swait.ge @!p0 [sflag:s8], $0x0  }
0x24: {  	s3 =	sadd.s32 $0x88, s3;
	s6 =	simm.s32 @!p1 $0x1082;
	[sflag:s4] =	ssyncset.s32 $0xFFFFF086  }
0x25: {  	[simem:s6], [sflag:s4] =	dma.local [hbm:s3], $0xF7A  }
0x26: {  	[smem:$0x3F9B] =	sst s1;
	(tag) =	ssettag s2;
	_ =	strace s9  }
0x27: {  	s1 =	sld [smem:$0x3FAB]  }
0x28: {  	s2 =	sld [smem:$0x3FAC]  }
0x29: {  	s4 =	sld [smem:$0x3FAE]  }
0x2a: {  	p0 =	seq.s32 s5, $0x0;
	s5 =	sld [smem:$0x3FAF]  }
0x2b: {  	s6 =	sld [smem:$0x3FB0]  }
0x2c: {  	s7 =	sld [smem:$0x3FB1]  }
0x2d: {  	s3 =	simm.s32 $0x108;
	s8 =	sld [smem:$0x3FB2]  }
0x2e: {  	s3 =	simm.s32 @!p0 $0x1082;
	s9 =	sld [smem:$0x3FB3]  }
0x2f: {  	lr =	sadd.s32 s0, s3;
	s0 =	sld [smem:$0x3FAA]  }
0x30: {  	s3 =	sld [smem:$0x3FAD]  }
0x31: {  	[smem:$0x3FB6] =	sst s10  }
0x32: {  	s10 =	sld [smem:$0x3FB4];
	_ =	sdelay $0x3  }
0x33: {  	p0 =	seq.s32 s10, $0x1;
	s10 =	sld [smem:$0x3FB6];
	_ =	sdelay $0x3  }
0x34: {  	[smem:$0x3FB6] =	sst s10  }
0x35: {  	s10 =	sld [smem:$0x3FB5];
	_ =	sdelay $0x3  }
0x36: {  	p1 =	seq.s32 s10, $0x1;
	s10 =	sld [smem:$0x3FB6];
	_ =	sdelay $0x3  }
0x37: {  	[smem:$0x3FB6] =	sst s10  }
0x38: {  	s10 =	sld [smem:$0x3FB7]  }
0x39: {  	_ = 	snop;
	(pc) =	sbr.ind lr, $3  }
0x3a: {  	_ = 	snop  }
0x3b: {  	_ = 	snop  }
0x3c: {  	p2 =	seq.s32 s10, $0x1;
	s10 =	sld [smem:$0x3FB6]  }
0x3d: {  	_ =	shalt  }
0x3e: {  	_ =	shalt  }
0x3f: {  	_ =	shalt  }
0x40: {  	_ =	shalt  }
0x41: {  	_ =	shalt  }
0x42: {  	_ =	shalt  }
0x43: {  	_ =	shalt  }
0x44: {  	_ =	shalt  }
0x45: {  	_ =	shalt  }
0x46: {  	_ =	shalt  }
0x47: {  	_ =	shalt  }
0x48: {  	_ =	shalt  }
0x49: {  	_ =	shalt  }
0x4a: {  	_ =	shalt  }
0x4b: {  	_ =	shalt  }
0x4c: {  	_ =	shalt  }
0x4d: {  	_ =	shalt  }
0x4e: {  	_ =	shalt  }
0x4f: {  	_ =	shalt  }
0x50: {  	_ =	shalt  }
0x51: {  	_ =	shalt  }
0x52: {  	_ =	shalt  }
0x53: {  	_ =	shalt  }
0x54: {  	_ =	shalt  }
0x55: {  	_ =	shalt  }
0x56: {  	_ =	shalt  }
0x57: {  	_ =	shalt  }
0x58: {  	_ =	shalt  }
0x59: {  	_ =	shalt  }
0x5a: {  	_ =	shalt  }
0x5b: {  	_ =	shalt  }
0x5c: {  	_ =	shalt  }
0x5d: {  	_ =	shalt  }
0x5e: {  	_ =	shalt  }
0x5f: {  	_ =	shalt  }
0x60: {  	_ =	shalt  }
0x61: {  	_ =	shalt  }
0x62: {  	_ =	shalt  }
0x63: {  	_ =	shalt  }
0x64: {  	_ =	shalt  }
0x65: {  	_ =	shalt  }
0x66: {  	_ =	shalt  }
0x67: {  	_ =	shalt  }
0x68: {  	_ =	shalt  }
0x69: {  	_ =	shalt  }
0x6a: {  	_ =	shalt  }
0x6b: {  	_ =	shalt  }
0x6c: {  	_ =	shalt  }
0x6d: {  	_ =	shalt  }
0x6e: {  	_ =	shalt  }
0x6f: {  	_ =	shalt  }
0x70: {  	_ =	shalt  }
0x71: {  	_ =	shalt  }
0x72: {  	_ =	shalt  }
0x73: {  	_ =	shalt  }
0x74: {  	_ =	shalt  }
0x75: {  	_ =	shalt  }
0x76: {  	_ =	shalt  }
0x77: {  	_ =	shalt  }
0x78: {  	_ =	shalt  }
0x79: {  	_ =	shalt  }
0x7a: {  	_ =	shalt  }
0x7b: {  	_ =	shalt  }
0x7c: {  	_ =	shalt  }
0x7d: {  	_ =	shalt  }
0x7e: {  	_ =	shalt  }
0x7f: {  	_ =	shalt  }
0x80: {  	_ =	shalt  }
0x81: {  	_ =	shalt  }
0x82: {  	_ =	shalt  }
0x83: {  	_ =	shalt  }
0x84: {  	_ =	shalt  }
0x85: {  	_ =	shalt  }
0x86: {  	_ =	shalt  }
0x87: {  	_ =	shalt  }
.Lfunc_end0:
.L_simem_size_0:
called_computation_lowered:
.L_overlay_start_0:
0x88: {  	s2 =	sld [smem:$0x3FD9]  }
0x89: {  	s3 =	sld [smem:$0x3FFE];
	_ =	sdelay $0x1  }
0x8a: {  	s1 =	srdreg.scid  }
0x8b: {  	s0 =	sand.u32 $0x1, s1  }
0x8c: {  	s17 =	sshll.u32 s0, $0xA;
	s2 =	sadd.s32 s3, s2  }
0x8d: {  	s2 =	sadd.s32 s2, s17  }
0x8e: {  	[smem:$0x3FC2] =	sst s2  }
0x8f: {  	_ = 	snop  }
0x90: {  	s2 =	sld [smem:$0x3FC8]  }
0x91: {  	s18 =	sld [smem:$0x3FC6]  }
0x92: {  	s4 =	sld [smem:$0x3FC5]  }
0x93: {  	s5 =	sld [smem:$0x3FD0];
	(tm) =	ssettm $0x1  }
0x94: {  	s6 =	sld [smem:$0x3FFB];
	_ =	sdelay $0x3  }
0x95: {  	_ =	strace s6  }
0x96: {  	s6 =	sld [smem:$0x3FFC];
	_ =	sdelay $0x3  }
0x97: {  	_ =	strace s6  }
0x98: {  	s6 =	sld [smem:$0x3FFD];
	_ =	sdelay $0x3  }
0x99: {  	_ =	strace s6  }
0x9a: {  	_ =	strace $0x8FFFFFFF  }
0x9b: {  	s19 =	sld [smem:$0x3FDB];
	_ =	sdelay $0x1  }
0x9c: {  	s7 =	simm.s32 $_scs_section_size  }
0x9d: {  	s8 =	simm.s32 $_size__tile_overlayer_lowered;
	s9 =	simm.s32 $_tile_overlayer_lowered  }
0x9e: {  	s22 =	simm.s32 $0x1BFF;
	s21 =	sshll.u32 s9, $0x1;
	s6 =	sadd.s32 s7, s19  }
0x9f: {  	s10 =	simm.s32 $0x0;
	s20 =	sshll.u32 s8, $0x1;
	s8 =	sadd.s32 s21, s6  }
0xa0: {  	[timem:s10], [sflag:s22] =	dma.local [hbm:s8], s20  }
0xa1: {  	_ =	swait.ge [sflag:s22], s20  }
0xa2: {  	s7 =	ssub.s32 $0x0, s20;
	[sflag:s22] =	ssyncset.done $0x0  }
0xa3: {  	[sflag:s22] =	ssyncadd.s32 s7;
	_ =	sdelay $0x1  }
0xa4: {  	s23 =	simm.s32 $0x1B8B  }
0xa5: {  	_ =	swait.ge [sflag:s23], $0x1  }
0xa6: {  	[sflag:s23] =	ssyncset.done $0x0  }
0xa7: {  	s25 =	simm.s32 $0x1B8E;
	s24 =	sld [smem:$0x3FFE];
	[sflag:s23] =	ssyncadd.s32 $0xFFFFFFFF  }
0xa8: {  	s26 =	simm.s32 $execute0_lowered;
	[smem:$0x3FD2] =	sst s25  }
0xa9: {  	s8 =	sshll.u32 s26, $0x1;
	_ =	strace $0x80000046;
	[dreg:$0x1] =	wrdreg $0xFFFFFFFF  }
0xaa: {  	s28 =	simm.s32 $_size_execute0_lowered;
	s6 =	sadd.s32 s6, s8;
	[dreg:$0x0] =	wrdreg $0x0  }
0xab: {  	s8 =	sshll.u32 s28, $0x1;
	[dreg:$0x2] =	wrdreg s6  }
0xac: {  	[dreg:$0x3] =	wrdreg s8  }
0xad: {  	[dreg:$0x4] =	wrdreg $0xC0  }
0xae: {  	_ =	task [dreg:s10], $0x5FFFF  }
0xaf: {  	[dreg:$0x1] =	wrdreg $0xFFFFFFFF  }
0xb0: {  	[dreg:$0x0] =	wrdreg $0x60  }
0xb1: {  	[dreg:$0x2] =	wrdreg s5  }
0xb2: {  	[dreg:$0x3] =	wrdreg s2  }
0xb3: {  	[dreg:$0x4] =	wrdreg s18  }
0xb4: {  	[dreg:$0x5] =	wrdreg s4  }
0xb5: {  	[dreg:$0x6] =	wrdreg s24  }
0xb6: {  	[dreg:$0x7] =	wrdreg $0x118800  }
0xb7: {  	[dreg:$0x8] =	wrdreg $0x140800  }
0xb8: {  	[dreg:$0x9] =	wrdreg $0x9  }
0xb9: {  	_ =	task.clear_ibuf [dreg:s10], $0xAFFFF;
	_ =	strace $0x90000046  }
0xba: {  	s29 =	simm.s32 $0x9;
	_ =	strace $0x80000048  }
0xbb: {  	_ =	swait.ge [sflag:s29], $0x1  }
0xbc: {  	[sflag:s29] =	ssyncadd.s32 $0xFFFFFFFF  }
0xbd: {  	_ =	strace $0x90000048  }
0xbe: {  	_ =	sfence  }
0xbf: {  	s30 =	sld [smem:$0x0];
	_ =	sdelay $0x2  }
0xc0: {  	s31 =	sshll.u32 s1, $0xD;
	s1 =	sshrl.u32 s1, $0x2  }
0xc1: {  	s3 =	sand.u32 $0x4000, s31;
	s1 =	sadd.s32 s1, s30  }
0xc2: {  	s0 =	sor.u32 s3, s0;
	s1 =	sshll.u32 s1, $0x11  }
0xc3: {  	s0 =	sor.u32 s1, s0  }
0xc4: {  	s0 =	sadd.s32 $0x8F2B, s0  }
0xc5: {  	[sflag:s0] =	ssyncadd.remote.s32 $0x1  }
0xc6: {  	_ =	sfence.sel $0xFFFF  }
0xc7: {  	[dreg:$0x0] =	wrdreg $0xFFFFFFFF;
	(pc) =	sbr.abs _section_cstart, $3  }
0xc8: {  	[dreg:$0x1] =	wrdreg $0xFFFFFFFF  }
0xc9: {  	_ =	task.clear_ibuf [dreg:s10], $0x2FFFF;
	_ =	strace $0x9FFFFFFF  }
0xca: {  	(tm) =	ssettm $0x7FFFFFFF  }
0xcb: {  	_ =	shalt  }
tec
execute0_lowered:
.L_overlay_start_1:
0x0: {  	(tag) =	ssettag $0x1  }
0x1: {  	s0 =	rddreg [dreg:$0x1]  }
0x2: {  	s1 =	rddreg [dreg:$0x4]  }
0x3: {  	s2 =	rddreg [dreg:$0x5]  }
0x4: {  	s3 =	rddreg [dreg:$0x6];
	s4 =	srdreg.scid  }
0x5: {  	s11 =	stileid.u32;
	s12 =	simm.s32 $0x0;
	s14 =	simm.s32 $0x1  }
0x6: {  	s15 =	simm.s32 $0x9F80;
	s16 =	simm.s32 $0x7780;
	s5 =	smul.u32 $0x500, s11  }
0x7: {  	s4 =	sand.u32 $0x1, s4;
	[smem:$0x7FF] =	sst s12;
	s9 =	smul.u32 $0x4E20, s11  }
0x8: {  	s7 =	sshll.u32 s11, $0x1;
	s8 =	sshrl.u32 s11, $0x3;
	s23 =	smul.u32 $0x1400, s11  }
0x9: {  	s21 =	sshll.u32 s11, $0x7;
	s29 =	smul.u32 $0x9C40, s11;
	s6 =	sshll.u32 s4, $0x7  }
0xa: {  	_ =	strace $0x80000047;
	s17 =	sor.u32 s4, s7;
	s20 =	smul.u32 $0x14000, s8  }
0xb: {  	s18 =	ssub.s32 $0x2, s4;
	s8 =	sand.u32 $0x380, s21;
	s10 =	smul.u32 $0x2710, s4  }
0xc: {  	s13 =	smul.u32 $0x4E20, s4;
	s4 =	simm.s32 $0x4;
	s5 =	sor.u32 s6, s5  }
0xd: {  	s6 =	smul.u32 $0x2710, s17;
	s19 =	sshrl.u32 s18, $0x1;
	s25 =	sadd.s32 s23, s3  }
0xe: {  	s5 =	sshrl.u32 s5, $0x3;
	s22 =	sor.u32 s8, s20;
	[dreg:$0x18] =	wrdreg s25  }
0xf: {  	s24 =	sadd.s32 s10, s9;
	s10 =	simm.s32 $0xC800;
	[dreg:$0x1c] =	wrdreg s13  }
0x10: {  	s1 =	sadd.s32 s5, s1;
	s5 =	ssub.s32 s18, s19;
	s7 =	sadd.s32 s22, s2  }
0x11: {  	s6 =	sand.u32 $0x7FF80, s6;
	s2 =	sadd.s32 s23, s2;
	[dreg:$0x15] =	wrdreg s7  }
0x12: {  	s26 =	sand.u32 $0xFFF80, s24;
	[dreg:$0x17] =	wrdreg s2;
	s28 =	sadd.s32 $0x1200, s1  }
0x13: {  	s6 =	smin.u32 s6, $0x4BA00;
	s1 =	sadd.s32 $0x1C00, s1;
	[dreg:$0x19] =	wrdreg s28  }
0x14: {  	s30 =	smax.u32 s5, $0x1;
	s6 =	sshrl.u32 s6, $0x2;
	[dreg:$0x1a] =	wrdreg s1  }
0x15: {  	s2 =	smin.u32 s26, $0x4BA00;
	[dreg:$0x1b] =	wrdreg s30;
	s0 =	sadd.s32 s0, s6  }
0x16: {  	s31 =	sshll.u32 s2, $0x1;
	[dreg:$0x14] =	wrdreg s0;
	s0 =	sadd.s32 s22, s3  }
0x17: {  	s1 =	ssub.s32 s29, s31;
	[dreg:$0x16] =	wrdreg s0;
	s0 =	ssub.s32 s24, s2  }
0x18: {  	s6 =	simm.s32 $0xC780;
	[dreg:$0x1d] =	wrdreg s1;
	s0 =	sadd.s32 $0x40, s0  }
0x19: {  	v0 =	vimm.f32 $0.0e+00;
	s3 =	simm.s32 $0x3;
	s1 =	simm.s32 $0x0;
	[dreg:$0x1e] =	wrdreg s0  }
.LBB2_1:
0x1a: {  	[dreg:$0x1f] =	wrdreg s1  }
0x1b: {  	s0 =	rddreg [dreg:$0x14];
	s26 =	simm.s32 $0x2780  }
0x1c: {  	[tilespmem:s26], [sflag:$0x1] =	stream.linear.gather [hbm4b:s0+s12], $0x5000, $0x38;
	[tilespmem:$0x16880] =	vst v63  }
0x1d: {  	s28 =	rddreg [dreg:$0x0]  }
0x1e: {  	[tilespmem:s12], [sflag:$0x2] =	stream.linear.gather [hbm4b:s28+s12], $0x2780, $0x38;
	[tilespmem:$0x16880] =	vst v63  }
0x1f: {  	s29 =	rddreg [dreg:$0x2]  }
0x20: {  	[tilespmem:s6], [sflag:$0x3] =	stream.linear.gather [hbm4b:s29+s12], $0x80, $0x38;
	[tilespmem:$0x16880] =	vst v63  }
0x21: {  	s30 =	rddreg [dreg:$0x3];
	s31 =	simm.s32 $0x77A0  }
0x22: {  	[tilespmem:s10], [sflag:$0x4] =	stream.linear.gather [hbm4b:s30+s12], $0x80, $0x38;
	[tilespmem:$0x16880] =	vst v63  }
0x23: {  	[tilespmem:s31+$0xFFFFFFF0] =	vst v0  }
0x24: {  	[tilespmem:s31+$0x0] =	vst v0  }
0x25: {  	[tilespmem:s31+$0x10] =	vst v0  }
0x26: {  	s0 =	simm.s32 $0x9FA0;
	[tilespmem:s31+$0xFFFFFFE0] =	vst v0  }
0x27: {  	[tilespmem:s0+$0xFFFFFFF0] =	vst v0  }
0x28: {  	[tilespmem:s0+$0x0] =	vst v0  }
0x29: {  	[tilespmem:s0+$0x10] =	vst v0  }
0x2a: {  	s1 =	simm.s32 $0x0;
	s2 =	simm.s32 $0x77E0;
	[tilespmem:s0+$0xFFFFFFE0] =	vst v0  }
.LBB2_2:
0x2b: {  	[tilespmem:s2+$0xFFFFFFF0] =	vst v0;
	s0 =	sadd.s32 $0x40, s0  }
0x2c: {  	s1 =	sadd.s32 $0x4, s1;
	[tilespmem:s0+$0xFFFFFFF0] =	vst v0  }
0x2d: {  	p0 =	slt.u32 s1, $0x27C;
	[tilespmem:s2+$0x0] =	vst v0  }
.Ltmp0:
0x2e: {  	[tilespmem:s0+$0x0] =	vst v0;
	(pc) =	sbr.rel @p0 .LBB2_2-.Ltmp0, $4  }
0x2f: {  	[tilespmem:s2+$0x10] =	vst v0  }
0x30: {  	[tilespmem:s0+$0x10] =	vst v0  }
0x31: {  	[tilespmem:s2+$0xFFFFFFE0] =	vst v0  }
0x32: {  	s2 =	sadd.s32 $0x40, s2;
	[tilespmem:s0+$0xFFFFFFE0] =	vst v0  }
0x33: {  	_ =	swait.ge [sflag:s14], $0x5000  }
0x34: {  	[sflag:s14] =	ssyncset.done $0x0  }
0x35: {  	s0 =	simm.s32 $0x2;
	[sflag:s14] =	ssyncadd.s32 $0xFFFFB000  }
0x36: {  	_ =	swait.ge [sflag:s0], $0x2780  }
0x37: {  	[sflag:s0] =	ssyncset.done $0x0  }
0x38: {  	[sflag:s0] =	ssyncadd.s32 $0xFFFFD880  }
0x39: {  	_ =	swait.ge [sflag:s3], $0x80  }
0x3a: {  	[sflag:s3] =	ssyncset.done $0x0  }
0x3b: {  	[sflag:s3] =	ssyncadd.s32 $0xFFFFFF80  }
0x3c: {  	_ =	swait.ge [sflag:s4], $0x80  }
0x3d: {  	[sflag:s4] =	ssyncset.done $0x0;
	s9 =	rddreg [dreg:$0x1e]  }
0x3e: {  	s8 =	rddreg [dreg:$0x1d];
	[sflag:s4] =	ssyncadd.s32 $0xFFFFFF80;
	s26 =	sadd.s32 $0xFFFFFFD0, s9  }
0x3f: {  	s1 =	sadd.s32 s8, s13;
	s2 =	sadd.s32 $0xFFFFFFE0, s9;
	s30 =	sadd.s32 $0xFFFFFFC0, s9  }
0x40: {  	s0 =	sand.u32 $0x70, s26;
	s29 =	sand.u32 $0xFFFFFF00, s1;
	v9 =	vld.msk [tilespmem:s6+$0x0], $0xffff;
	s6 =	sand.u32 $0x70, s30  }
0x41: {  	s28 =	sadd.s32 $0x40, s1;
	s5 =	sadd.s32 $0x20, s1;
	v4 =	vld.msk [tilespmem:s10+$0x0], $0xffff;
	s4 =	sor.u32 s6, s29  }
0x42: {  	s7 =	sadd.s32 $0x60, s1;
	s2 =	sand.u32 $0x70, s2;
	s5 =	sand.u32 $0xFFFFFF00, s5;
	v5 =	vld [tilespmem:s4+$0x2800]  }
0x43: {  	s1 =	sadd.s32 $0x80, s1;
	s3 =	sand.u32 $0xFFFFFF00, s28;
	s0 =	sor.u32 s0, s5;
	v10 =	vld [tilespmem:s4+$0x2780]  }
0x44: {  	s10 =	sand.u32 $0x70, s9;
	s1 =	sand.u32 $0xFFFFFF00, s1;
	s2 =	sor.u32 s2, s3;
	v3 =	vld [tilespmem:s0+$0x2780]  }
0x45: {  	s1 =	sor.u32 s10, s1;
	v8 =	vld [tilespmem:s2+$0x2780]  }
0x46: {  	s31 =	sadd.s32 $0xFFFFFFF0, s9;
	v7 =	vld [tilespmem:s1+$0x2800]  }
0x47: {  	s7 =	sand.u32 $0xFFFFFF00, s7;
	s5 =	sand.u32 $0x70, s31;
	v2 =	vld [tilespmem:s0+$0x2800]  }
0x48: {  	s5 =	sor.u32 s5, s7;
	v1 =	vld [tilespmem:s2+$0x2800]  }
0x49: {  	v6 =	vld [tilespmem:s5+$0x2780]  }
0x4a: {  	v11 =	vld [tilespmem:s1+$0x2780]  }
0x4b: {  	v13 =	vld.idx.msk [tilespmem:v5+s12+$0x0], $0xffff  }
0x4c: {  	v17 =	vld.idx.msk [tilespmem:v10+s12+$0x0], $0xffff  }
0x4d: {  	v12 =	vld.idx.msk [tilespmem:v3+s12+$0x0], $0xffff  }
0x4e: {  	v14 =	vld.idx.msk [tilespmem:v7+s12+$0x0], $0xffff  }
0x4f: {  	v10 =	vadd.f32 v4, v9;
	v15 =	vld.idx.msk [tilespmem:v2+s12+$0x0], $0xffff  }
0x50: {  	v16 =	vld.idx.msk [tilespmem:v1+s12+$0x0], $0xffff  }
0x51: {  	v6 =	vld.idx.msk [tilespmem:v6+s12+$0x0], $0xffff;
	v18 =	vmul.f32 v13, v10  }
0x52: {  	v13 =	vmul.f32 v13, v4;
	v21 =	vmul.f32 v17, v9  }
0x53: {  	v8 =	vld.idx.msk [tilespmem:v8+s12+$0x0], $0xffff;
	v20 =	vmul.f32 v12, v9;
	v23 =	vmul.f32 v14, v10  }
0x54: {  	s11 =	sadd.s32 $0xA0, s8;
	s17 =	sadd.s32 $0x50, s9;
	v3 =	vld [tilespmem:s5+$0x2800];
	v24 =	vmul.f32 v14, v4;
	v14 =	vmul.f32 v15, v4  }
0x55: {  	s18 =	sadd.s32 s11, s13;
	s19 =	sadd.s32 $0xFFFFFFD0, s17;
	v25 =	vmul.f32 v16, v10;
	v22 =	vmul.f32 $2.000000030e-01, v18  }
0x56: {  	s21 =	sadd.s32 $0xFFFFFFC0, s17;
	s28 =	sadd.s32 $0xFFFFFFE0, s17;
	s29 =	sadd.s32 $0x40, s18;
	v11 =	vld.idx.msk [tilespmem:v11+s12+$0x0], $0xffff;
	v16 =	vmul.f32 v16, v4;
	v19 =	vmul.f32 v6, v9;
	vm0 =	vlt.f32 v18, $0.0e+00  }
0x57: {  	s20 =	sadd.s32 $0x20, s18;
	s6 =	sand.u32 $0x70, s28;
	s30 =	sand.u32 $0xFFFFFF00, s29;
	v13 =	vadd.f32 v13, v21;
	v18 =	vsel vm0, v22, v18;
	v22 =	vmul.f32 $2.000000030e-01, v23  }
0x58: {  	s3 =	sand.u32 $0xFFFFFF00, s20;
	s1 =	sand.u32 $0x70, s19;
	s6 =	sor.u32 s6, s30;
	v21 =	vmul.f32 v8, v9;
	v20 =	vadd.f32 v14, v20;
	vm0 =	vlt.f32 v23, $0.0e+00  }
0x59: {  	s26 =	sand.u32 $0xFFFFFF00, s18;
	s3 =	sor.u32 s1, s3;
	v30 =	vld [tilespmem:s6+$0x2780];
	s5 =	sand.u32 $0x70, s21;
	vm1 =	vlt.f32 v13, $0.0e+00;
	v28 =	vsel vm0, v22, v23;
	v22 =	vmul.f32 $2.000000030e-01, v13  }
0x5a: {  	s23 =	sadd.s32 $0xFFFFFFF0, s17;
	s22 =	sadd.s32 $0x60, s18;
	v27 =	vld [tilespmem:s3+$0x2780];
	s5 =	sor.u32 s5, s26;
	v16 =	vadd.f32 v16, v21;
	v21 =	vmul.f32 $2.000000030e-01, v25;
	vm0 =	vlt.f32 v25, $0.0e+00  }
0x5b: {  	s25 =	sand.u32 $0x70, s23;
	s24 =	sand.u32 $0xFFFFFF00, s22;
	v14 =	vld [tilespmem:s5+$0x2800];
	v23 =	vmul.f32 v15, v10;
	v15 =	vmul.f32 v11, v9;
	v13 =	vsel vm1, v22, v13  }
0x5c: {  	s2 =	sadd.s32 $0x80, s18;
	s1 =	sor.u32 s25, s24;
	v26 =	vld.idx.msk [tilespmem:v3+s12+$0x0], $0xffff;
	v32 =	vmul.f32 $2.000000030e-01, v16;
	vm2 =	vlt.f32 v16, $0.0e+00;
	v18 =	vsub.f32 v13, v18  }
0x5d: {  	s31 =	sand.u32 $0x70, s17;
	s2 =	sand.u32 $0xFFFFFF00, s2;
	v29 =	vld [tilespmem:s1+$0x2780];
	v21 =	vsel vm0, v21, v25;
	v25 =	vmul.f32 $2.000000030e-01, v20;
	v31 =	vmul.f32 $2.000000030e-01, v23  }
0x5e: {  	s2 =	sor.u32 s31, s2;
	vm1 =	vlt.f32 v23, $0.0e+00;
	v24 =	vadd.f32 v24, v15;
	v22 =	vld [tilespmem:s5+$0x2780];
	v18 =	vmul.f32 $1.442695020e+00, v18  }
0x5f: {  	vm0 =	vlt.f32 v20, $0.0e+00;
	v16 =	vsel vm2, v32, v16;
	v15 =	vld [tilespmem:s2+$0x2800];
	v23 =	vsel vm1, v31, v23  }
0x60: {  	v13 =	vld [tilespmem:s6+$0x2800];
	v31 =	vsub.f32 v16, v21;
	v63 =	vmul.f32 $2.000000030e-01, v24;
	(erf) = vpow2.f32 v18  }
0x61: {  	v33 =	vmul.f32 v26, v4;
	v20 =	vsel vm0, v25, v20;
	v16 =	vld [tilespmem:s3+$0x2800];
	vm0 =	vlt.f32 v24, $0.0e+00  }
0x62: {  	v21 =	vld [tilespmem:s2+$0x2780];
	v25 =	vsel vm0, v63, v24;
	v18 =	vsub.f32 v20, v23;
	v20 =	vmul.f32 $1.442695020e+00, v31  }
0x63: {  	v24 =	vadd.f32 v33, v19;
	v19 =	vld.idx.msk [tilespmem:v27+s12+$0x0], $0xffff;
	v28 =	vsub.f32 v25, v28  }
0x64: {  	v26 =	vmul.f32 v26, v10;
	v23 =	vld.idx.msk [tilespmem:v14+s12+$0x0], $0xffff;
	(erf) = vpow2.f32 v20  }
0x65: {  	v25 =	vmul.f32 $1.442695020e+00, v18;
	v18 =	vld.idx.msk [tilespmem:v29+s12+$0x0], $0xffff;
	v29 =	vmul.f32 $1.442695020e+00, v28  }
0x66: {  	s6 =	sadd.s32 $0x50, s17;
	s2 =	simm.s32 $0x5;
	s3 =	sadd.s32 $0xA0, s11;
	vm0 =	vlt.f32 v26, $0.0e+00;
	v27 =	vmul.f32 $2.000000030e-01, v24;
	v20 =	vld.idx.msk [tilespmem:v30+s12+$0x0], $0xffff;
	v28 =	vmul.f32 $2.000000030e-01, v26  }
.LBB2_4:
0x67: {  	s0 =	sadd.s32 s3, s13;
	s4 =	sadd.s32 $0xFFFFFFD0, s6;
	s5 =	sadd.s32 $0xFFFFFFE0, s6;
	v22 =	vld.idx.msk [tilespmem:v22+s12+$0x0], $0xffff;
	(erf) = vpow2.f32 v29  }
0x68: {  	vm1 =	vlt.f32 v24, $0.0e+00;
	s4 =	sand.u32 $0x70, s4;
	s7 =	sand.u32 $0x70, s5;
	s5 =	sadd.s32 $0x40, s0;
	v29 =	vld.idx.msk [tilespmem:v13+s12+$0x0], $0xffff;
	v26 =	vsel vm0, v28, v26  }
0x69: {  	s8 =	sand.u32 $0xFFFFFF00, s0;
	s9 =	sadd.s32 $0x20, s0;
	v24 =	vsel vm1, v27, v24;
	s10 =	sand.u32 $0xFFFFFF00, s5;
	v28 =	vld.idx.msk [tilespmem:v15+s12+$0x0], $0xffff;
	v27 =	vpop (erf);
	(erf) = vpow2.f32 v25  }
0x6a: {  	s11 =	sadd.s32 $0x60, s0;
	s5 =	sadd.s32 $0xFFFFFFC0, s6;
	s9 =	sand.u32 $0xFFFFFF00, s9;
	v34 =	vsub.f32 v24, v26;
	v25 =	vld.idx.msk [tilespmem:v16+s12+$0x0], $0xffff;
	v30 =	vmul.f32 v27, v17  }
0x6b: {  	v24 =	vmul.f32 v23, v10;
	s5 =	sand.u32 $0x70, s5;
	s4 =	sor.u32 s4, s9;
	s9 =	sand.u32 $0xFFFFFF00, s11;
	v31 =	vmul.f32 v18, v9;
	v21 =	vld.idx.msk [tilespmem:v21+s12+$0x0], $0xffff  }
0x6c: {  	v23 =	vmul.f32 v23, v4;
	s7 =	sor.u32 s7, s10;
	s5 =	sor.u32 s5, s8;
	s8 =	sadd.s32 $0xFFFFFFF0, s6;
	v26 =	vmul.f32 $1.442695020e+00, v34;
	[tilespmem:v5+s15+$0x0] =	vst.idx.add.f32.msk $0xffff, v27  }
0x6d: {  	s2 =	sadd.s32 $0x5, s2;
	v32 =	vmul.f32 v19, v9;
	s8 =	sand.u32 $0x70, s8;
	v17 =	vmov v22;
	v27 =	vld [tilespmem:s4+$0x2780];
	v33 =	vpop (erf)  }
0x6e: {  	s0 =	sadd.s32 $0x80, s0;
	p0 =	slt.u32 s2, $0x26C;
	s8 =	sor.u32 s8, s9;
	v22 =	vmul.f32 v17, v9;
	[tilespmem:v1+s15+$0x0] =	vst.idx.add.f32.msk $0xffff, v33;
	(erf) = vpow2.f32 v26  }
0x6f: {  	s0 =	sand.u32 $0xFFFFFF00, s0;
	s9 =	sand.u32 $0x70, s6;
	v26 =	vmul.f32 $2.000000030e-01, v24;
	v35 =	vmul.f32 v28, v10;
	v34 =	vld [tilespmem:s1+$0x2800];
	s1 =	smov.u32 s8  }
0x70: {  	vm0 =	vlt.f32 v24, $0.0e+00;
	s0 =	sor.u32 s9, s0;
	v28 =	vmul.f32 v28, v4;
	v36 =	vld [tilespmem:s1+$0x2780];
	v37 =	vpop (erf)  }
0x71: {  	v24 =	vsel vm0, v26, v24;
	v26 =	vmul.f32 v25, v4;
	v38 =	vmul.f32 $2.000000030e-01, v35;
	[tilespmem:v7+s15+$0x0] =	vst.idx.add.f32.msk $0xffff, v37  }
0x72: {  	v40 =	vmul.f32 v29, v10;
	vm0 =	vlt.f32 v35, $0.0e+00;
	v37 =	vmul.f32 v37, v11;
	v39 =	vld [tilespmem:s5+$0x2800];
	v41 =	vpop (erf)  }
0x73: {  	v22 =	vadd.f32 v23, v22;
	v23 =	vmul.f32 v29, v4;
	v11 =	vmovc v21;
	v29 =	vsel vm0, v38, v35;
	v42 =	vld [tilespmem:s7+$0x2780]  }
0x74: {  	v21 =	vmul.f32 v20, v9;
	vm0 =	vlt.f32 v40, $0.0e+00;
	v12 =	vmul.f32 v41, v12;
	[tilespmem:v5+s16+$0x0] =	vst.idx.add.f32.msk $0xffff, v30  }
0x75: {  	v38 =	vmul.f32 $2.000000030e-01, v22;
	v26 =	vadd.f32 v26, v32;
	v30 =	vmul.f32 v11, v9;
	[tilespmem:v7+s16+$0x0] =	vst.idx.add.f32.msk $0xffff, v37  }
0x76: {  	v25 =	vmul.f32 v25, v10;
	vm1 =	vlt.f32 v22, $0.0e+00;
	v21 =	vadd.f32 v23, v21;
	[tilespmem:v2+s15+$0x0] =	vst.idx.add.f32.msk $0xffff, v41  }
0x77: {  	v23 =	vmul.f32 $2.000000030e-01, v40;
	v22 =	vsel vm1, v38, v22;
	v5 =	vmov v14;
	v32 =	vld.idx.msk [tilespmem:v34+s12+$0x0], $0xffff;
	v35 =	vpop (erf)  }
0x78: {  	vm1 =	vlt.f32 v25, $0.0e+00;
	v38 =	vmul.f32 $2.000000030e-01, v25;
	v7 =	vmovc v15;
	v28 =	vadd.f32 v28, v30;
	v14 =	vmovc v39;
	v37 =	vld [tilespmem:s7+$0x2800]  }
0x79: {  	v15 =	vsub.f32 v22, v24;
	vm2 =	vlt.f32 v21, $0.0e+00;
	v24 =	vmul.f32 v33, v8;
	[tilespmem:v3+s15+$0x0] =	vst.idx.add.f32.msk $0xffff, v35  }
0x7a: {  	v23 =	vsel vm0, v23, v40;
	v41 =	vmul.f32 $2.000000030e-01, v21;
	v30 =	vmul.f32 v35, v6;
	[tilespmem:v2+s16+$0x0] =	vst.idx.add.f32.msk $0xffff, v12  }
0x7b: {  	vm0 =	vlt.f32 v26, $0.0e+00;
	v33 =	vmul.f32 $1.442695020e+00, v15;
	vm3 =	vlt.f32 v28, $0.0e+00;
	v2 =	vmovc v16;
	v12 =	vmovc v19;
	v22 =	vld [tilespmem:s5+$0x2780]  }
0x7c: {  	v8 =	vmovc v20;
	v6 =	vmov v18;
	v19 =	vsel vm1, v38, v25;
	v16 =	vsel vm2, v41, v21;
	v15 =	vld [tilespmem:s0+$0x2800]  }
0x7d: {  	v18 =	vmul.f32 $2.000000030e-01, v26;
	v21 =	vmul.f32 $2.000000030e-01, v28;
	v20 =	vsub.f32 v16, v23;
	[tilespmem:v3+s16+$0x0] =	vst.idx.add.f32.msk $0xffff, v30;
	v3 =	vmovc v34  }
0x7e: {  	v25 =	vmul.f32 v32, v4;
	(erf) = vpow2.f32 v33;
	[tilespmem:v1+s16+$0x0] =	vst.idx.add.f32.msk $0xffff, v24;
	v1 =	vmovc v13;
	v13 =	vmov v37  }
0x7f: {  	v18 =	vsel vm0, v18, v26;
	v23 =	vsel vm3, v21, v28;
	v20 =	vmul.f32 $1.442695020e+00, v20;
	v16 =	vld [tilespmem:s4+$0x2800]  }
.Ltmp1:
0x80: {  	v18 =	vsub.f32 v18, v19;
	v26 =	vmul.f32 v32, v10;
	v28 =	vsub.f32 v23, v29;
	v21 =	vld [tilespmem:s0+$0x2780];
	(pc) =	sbr.rel @p0 .LBB2_4-.Ltmp1, $4  }
0x81: {  	v24 =	vadd.f32 v25, v31;
	v23 =	vld.idx.msk [tilespmem:v39+s12+$0x0], $0xffff  }
0x82: {  	v25 =	vmul.f32 $1.442695020e+00, v18;
	vm0 =	vlt.f32 v26, $0.0e+00;
	v19 =	vld.idx.msk [tilespmem:v27+s12+$0x0], $0xffff;
	(erf) = vpow2.f32 v20  }
0x83: {  	v29 =	vmul.f32 $1.442695020e+00, v28;
	v27 =	vmul.f32 $2.000000030e-01, v24;
	v18 =	vld.idx.msk [tilespmem:v36+s12+$0x0], $0xffff  }
0x84: {  	s3 =	sadd.s32 $0xA0, s3;
	s6 =	sadd.s32 $0x50, s6;
	v28 =	vmul.f32 $2.000000030e-01, v26;
	v20 =	vld.idx.msk [tilespmem:v42+s12+$0x0], $0xffff  }
0x85: {  	_ =	sdelay $0x3  }
0x86: {  	v42 =	vld.idx.msk [tilespmem:v15+s12+$0x0], $0xffff  }
0x87: {  	(erf) = vpow2.f32 v29;
	vm1 =	vlt.f32 v24, $0.0e+00;
	v22 =	vld.idx.msk [tilespmem:v22+s12+$0x0], $0xffff;
	v26 =	vsel vm0, v28, v26  }
0x88: {  	v44 =	vld.idx.msk [tilespmem:v13+s12+$0x0], $0xffff;
	v24 =	vsel vm1, v27, v24;
	v45 =	vmul.f32 v23, v10;
	v47 =	vmul.f32 v23, v4  }
0x89: {  	v46 =	vld.idx.msk [tilespmem:v16+s12+$0x0], $0xffff;
	v43 =	vpop (erf);
	(erf) = vpow2.f32 v25;
	v24 =	vsub.f32 v24, v26;
	v31 =	vmul.f32 v19, v9  }
0x8a: {  	v17 =	vmul.f32 v43, v17;
	v30 =	vmul.f32 v18, v9  }
0x8b: {  	v21 =	vld.idx.msk [tilespmem:v21+s12+$0x0], $0xffff;
	v33 =	vmul.f32 $2.000000030e-01, v45;
	v24 =	vmul.f32 $1.442695020e+00, v24  }
0x8c: {  	v32 =	vld [tilespmem:s1+$0x2800];
	v52 =	vmul.f32 v20, v9;
	v34 =	vmul.f32 v42, v10  }
0x8d: {  	v35 =	vmul.f32 v22, v9;
	v48 =	vmul.f32 v42, v4  }
0x8e: {  	v50 =	vmul.f32 v44, v10;
	v51 =	vmul.f32 v46, v4  }
0x8f: {  	vm8 =	vlt.f32 v45, $0.0e+00;
	v25 =	vmul.f32 v44, v4;
	v28 =	vmul.f32 v46, v10  }
0x90: {  	v26 =	vsel vm8, v33, v45;
	v9 =	vmul.f32 v21, v9;
	(erf) = vpow2.f32 v24  }
0x91: {  	v49 =	vmul.f32 $2.000000030e-01, v34;
	vm9 =	vlt.f32 v34, $0.0e+00;
	v23 =	vadd.f32 v47, v35  }
0x92: {  	vm10 =	vlt.f32 v50, $0.0e+00;
	v31 =	vadd.f32 v51, v31;
	v25 =	vadd.f32 v25, v52  }
0x93: {  	v54 =	vmul.f32 $2.000000030e-01, v50;
	vm12 =	vlt.f32 v28, $0.0e+00;
	v55 =	vmul.f32 $2.000000030e-01, v28  }
0x94: {  	v9 =	vadd.f32 v48, v9;
	v53 =	vld.idx.msk [tilespmem:v32+s12+$0x0], $0xffff;
	v29 =	vsel vm9, v49, v34;
	v36 =	vmul.f32 $2.000000030e-01, v23  }
0x95: {  	v62 =	vpop (erf);
	vm11 =	vlt.f32 v23, $0.0e+00;
	vm2 =	vlt.f32 v25, $0.0e+00;
	v56 =	vmul.f32 $2.000000030e-01, v25  }
0x96: {  	v33 =	vsel vm10, v54, v50;
	vm13 =	vlt.f32 v31, $0.0e+00;
	v57 =	vmul.f32 $2.000000030e-01, v9;
	v63 =	vpop (erf)  }
0x97: {  	vm3 =	vlt.f32 v9, $0.0e+00;
	v58 =	vmul.f32 $2.000000030e-01, v31;
	v11 =	vmul.f32 v63, v11  }
0x98: {  	v23 =	vsel vm11, v36, v23;
	v24 =	vsel vm2, v56, v25;
	v9 =	vsel vm3, v57, v9  }
0x99: {  	v23 =	vsub.f32 v23, v26;
	v24 =	vsub.f32 v24, v33;
	v4 =	vmul.f32 v53, v4  }
0x9a: {  	v59 =	vsel vm13, v58, v31;
	v9 =	vsub.f32 v9, v29;
	v10 =	vmul.f32 v53, v10  }
0x9b: {  	v23 =	vmul.f32 $1.442695020e+00, v23;
	v24 =	vmul.f32 $1.442695020e+00, v24;
	v4 =	vadd.f32 v4, v30  }
0x9c: {  	v26 =	vsel vm12, v55, v28;
	v9 =	vmul.f32 $1.442695020e+00, v9;
	v61 =	vmul.f32 $2.000000030e-01, v10  }
0x9d: {  	[tilespmem:v5+s15+$0x0] =	vst.idx.add.f32.msk $0xffff, v43;
	vm14 =	vlt.f32 v10, $0.0e+00;
	(erf) = vpow2.f32 v23;
	v60 =	vmul.f32 $2.000000030e-01, v4  }
0x9e: {  	[tilespmem:v5+s16+$0x0] =	vst.idx.add.f32.msk $0xffff, v17;
	v23 =	vsub.f32 v59, v26;
	vm15 =	vlt.f32 v4, $0.0e+00;
	(erf) = vpow2.f32 v24  }
0x9f: {  	[tilespmem:v1+s15+$0x0] =	vst.idx.add.f32.msk $0xffff, v62;
	v10 =	vsel vm14, v61, v10;
	(erf) = vpow2.f32 v9;
	v4 =	vsel vm15, v60, v4  }
0xa0: {  	[tilespmem:v7+s15+$0x0] =	vst.idx.add.f32.msk $0xffff, v63;
	v4 =	vsub.f32 v4, v10  }
0xa1: {  	[tilespmem:v7+s16+$0x0] =	vst.idx.add.f32.msk $0xffff, v11;
	v5 =	vmul.f32 $1.442695020e+00, v23;
	v9 =	vpop (erf)  }
0xa2: {  	v7 =	vmul.f32 v9, v12;
	[tilespmem:v2+s15+$0x0] =	vst.idx.add.f32.msk $0xffff, v9;
	v9 =	vpop (erf);
	v4 =	vmul.f32 $1.442695020e+00, v4  }
0xa3: {  	(erf) = vpow2.f32 v5;
	[tilespmem:v3+s15+$0x0] =	vst.idx.add.f32.msk $0xffff, v9;
	v5 =	vmul.f32 v9, v6  }
0xa4: {  	[tilespmem:v2+s16+$0x0] =	vst.idx.add.f32.msk $0xffff, v7;
	(erf) = vpow2.f32 v4;
	v4 =	vmul.f32 v62, v8  }
0xa5: {  	[tilespmem:v3+s16+$0x0] =	vst.idx.add.f32.msk $0xffff, v5  }
0xa6: {  	v2 =	vpop (erf);
	[tilespmem:v1+s16+$0x0] =	vst.idx.add.f32.msk $0xffff, v4  }
0xa7: {  	v1 =	vpop (erf);
	[tilespmem:v14+s15+$0x0] =	vst.idx.add.f32.msk $0xffff, v2  }
0xa8: {  	v2 =	vmul.f32 v2, v22;
	[tilespmem:v13+s15+$0x0] =	vst.idx.add.f32.msk $0xffff, v1;
	v3 =	vpop (erf)  }
0xa9: {  	v1 =	vmul.f32 v1, v20;
	[tilespmem:v15+s15+$0x0] =	vst.idx.add.f32.msk $0xffff, v3  }
0xaa: {  	v3 =	vmul.f32 v3, v21;
	[tilespmem:v14+s16+$0x0] =	vst.idx.add.f32.msk $0xffff, v2  }
0xab: {  	[tilespmem:v13+s16+$0x0] =	vst.idx.add.f32.msk $0xffff, v1  }
0xac: {  	v2 =	vpop (erf);
	[tilespmem:v15+s16+$0x0] =	vst.idx.add.f32.msk $0xffff, v3  }
0xad: {  	v3 =	vmul.f32 v2, v19;
	[tilespmem:v16+s15+$0x0] =	vst.idx.add.f32.msk $0xffff, v2;
	v2 =	vpop (erf)  }
0xae: {  	[tilespmem:v32+s15+$0x0] =	vst.idx.add.f32.msk $0xffff, v2;
	v2 =	vmul.f32 v2, v18  }
0xaf: {  	[tilespmem:v16+s16+$0x0] =	vst.idx.add.f32.msk $0xffff, v3  }
0xb0: {  	s9 =	simm.s32 $0x80;
	[tilespmem:v32+s16+$0x0] =	vst.idx.add.f32.msk $0xffff, v2  }
0xb1: {  	s2 =	simm.s32 $0x400;
	s16 =	simm.s32 $0x7780;
	s0 =	rddreg [dreg:$0x15]  }
0xb2: {  	[spmem:s0] =	stream.strided.scatter [tilespmem:s16], [sflag:$0x1], $0x2800, s2, s9, $0x38;
	[tilespmem:$0x16880] =	vst v63  }
0xb3: {  	s10 =	rddreg [dreg:$0x16]  }
0xb4: {  	[spmem:s10] =	stream.strided.scatter [tilespmem:s15], [sflag:$0x2], $0x2800, s2, s9, $0x38;
	[tilespmem:$0x16880] =	vst v63  }
0xb5: {  	_ =	swait.ge [sflag:s14], $0x2800  }
0xb6: {  	[sflag:s14] =	ssyncset.done $0x0  }
0xb7: {  	s11 =	simm.s32 $0x2;
	[sflag:s14] =	ssyncadd.s32 $0xFFFFD800  }
0xb8: {  	_ =	swait.ge [sflag:s11], $0x2800  }
0xb9: {  	[sflag:s11] =	ssyncset.done $0x0  }
0xba: {  	[sflag:s11] =	ssyncadd.s32 $0xFFFFD800  }
0xbb: {  	s13 =	simm.s32 $0x1400;
	[bflag:$0x0] =	sbarrier.arrive $0xFFFF  }
0xbc: {  	s3 =	simm.s32 $0xC880;
	s15 =	simm.s32 $0x14000;
	s12 =	rddreg [dreg:$0x17]  }
0xbd: {  	[tilespmem:s3], [sflag:$0x1] =	stream.strided.gather [spmem:s12], $0x2800, s15, s13, $0x38;
	[tilespmem:$0x16880] =	vst v63  }
0xbe: {  	s18 =	simm.s32 $0xF080;
	s17 =	rddreg [dreg:$0x18]  }
0xbf: {  	[tilespmem:s18], [sflag:$0x2] =	stream.strided.gather [spmem:s17], $0x2800, s15, s13, $0x38;
	[tilespmem:$0x16880] =	vst v63  }
0xc0: {  	s17 =	simm.s32 $0x0  }
0xc1: {  	_ =	swait.ge [sflag:s14], $0x2800;
	s0 =	sand.u32 $0x40, s17;
	s19 =	sand.u32 $0x1C00, s17  }
0xc2: {  	[sflag:s14] =	ssyncset.done $0x0;
	s4 =	sadd.s32 $0xC880, s19;
	s3 =	sor.u32 $0x30, s0  }
0xc3: {  	[sflag:s14] =	ssyncadd.s32 $0xFFFFD800;
	s5 =	sor.u32 s3, s4  }
0xc4: {  	v10 =	vld [tilespmem:s5+$0x0]  }
0xc5: {  	s6 =	sor.u32 s0, s4;
	v11 =	vld [tilespmem:s5+$0x80]  }
0xc6: {  	v12 =	vld [tilespmem:s6+$0x0]  }
0xc7: {  	v13 =	vld [tilespmem:s5+$0x100]  }
0xc8: {  	s31 =	sor.u32 $0x10, s0;
	v14 =	vld [tilespmem:s6+$0x80]  }
0xc9: {  	s7 =	sor.u32 s31, s4;
	v15 =	vld [tilespmem:s5+$0x180]  }
0xca: {  	v16 =	vld [tilespmem:s7+$0x0]  }
0xcb: {  	v17 =	vld [tilespmem:s5+$0x200]  }
0xcc: {  	s1 =	sor.u32 $0x20, s0;
	v18 =	vld [tilespmem:s7+$0x80]  }
0xcd: {  	s4 =	sor.u32 s1, s4;
	v19 =	vld [tilespmem:s5+$0x280]  }
0xce: {  	v20 =	vld [tilespmem:s4+$0x0]  }
0xcf: {  	v21 =	vld [tilespmem:s5+$0x300]  }
0xd0: {  	v22 =	vld [tilespmem:s4+$0x80]  }
0xd1: {  	s8 =	sadd.s32 $0xDC80, s19;
	v9 =	vld [tilespmem:s5+$0x380]  }
0xd2: {  	s20 =	sor.u32 s3, s8;
	v23 =	vld [tilespmem:s6+$0x100]  }
0xd3: {  	s9 =	sadd.s32 $0xDD00, s19;
	v7 =	vld [tilespmem:s20+$0x0]  }
0xd4: {  	s21 =	sor.u32 s3, s9;
	v24 =	vld [tilespmem:s7+$0x100]  }
0xd5: {  	s10 =	sadd.s32 $0xDD80, s19;
	v4 =	vld [tilespmem:s21+$0x0]  }
0xd6: {  	s13 =	sadd.s32 $0xDF00, s19;
	s22 =	sor.u32 s3, s10;
	v25 =	vld [tilespmem:s4+$0x100]  }
0xd7: {  	s25 =	sor.u32 s3, s13;
	v8 =	vld [tilespmem:s22+$0x0]  }
0xd8: {  	s11 =	sadd.s32 $0xDE00, s19;
	v1 =	vld [tilespmem:s25+$0x0]  }
0xd9: {  	s23 =	sor.u32 s3, s11;
	v26 =	vld [tilespmem:s6+$0x180]  }
0xda: {  	s12 =	sadd.s32 $0xDE80, s19;
	v6 =	vld [tilespmem:s23+$0x0]  }
0xdb: {  	s24 =	sor.u32 s3, s12;
	v27 =	vld [tilespmem:s7+$0x180]  }
0xdc: {  	s14 =	sadd.s32 $0xDF80, s19;
	v5 =	vld [tilespmem:s24+$0x0]  }
0xdd: {  	v28 =	vld [tilespmem:s4+$0x180];
	s26 =	sor.u32 s3, s14;
	[tilespmem:$0x1FFD0] =	vst v1  }
0xde: {  	v1 =	vld [tilespmem:s26+$0x0];
	_ =	sdelay $0x3  }
0xdf: {  	s2 =	sor.u32 $0xE000, s19  }
0xe0: {  	s28 =	sor.u32 s3, s2;
	v29 =	vld [tilespmem:s6+$0x200];
	[tilespmem:$0x1FFE0] =	vst v1  }
0xe1: {  	v1 =	vld [tilespmem:s28+$0x0];
	_ =	sdelay $0x4  }
0xe2: {  	v30 =	vld [tilespmem:s7+$0x200];
	[tilespmem:$0x1FFF0] =	vst v1  }
0xe3: {  	v31 =	vld [tilespmem:s4+$0x200]  }
0xe4: {  	v32 =	vld [tilespmem:s6+$0x280]  }
0xe5: {  	v33 =	vld [tilespmem:s7+$0x280]  }
0xe6: {  	v34 =	vld [tilespmem:s4+$0x280]  }
0xe7: {  	v35 =	vld [tilespmem:s6+$0x300]  }
0xe8: {  	v36 =	vld [tilespmem:s7+$0x300]  }
0xe9: {  	v37 =	vld [tilespmem:s4+$0x300]  }
0xea: {  	v38 =	vld [tilespmem:s6+$0x380]  }
0xeb: {  	v39 =	vld [tilespmem:s7+$0x380]  }
0xec: {  	s30 =	sor.u32 s0, s8;
	v40 =	vld [tilespmem:s4+$0x380]  }
0xed: {  	s15 =	sor.u32 s31, s9;
	v41 =	vld [tilespmem:s30+$0x0]  }
0xee: {  	s18 =	sor.u32 s1, s9;
	v45 =	vld [tilespmem:s15+$0x0]  }
0xef: {  	s19 =	sor.u32 s0, s10;
	v46 =	vld [tilespmem:s18+$0x0]  }
0xf0: {  	s20 =	sor.u32 s31, s10;
	v47 =	vld [tilespmem:s19+$0x0]  }
0xf1: {  	s21 =	sor.u32 s1, s10;
	v48 =	vld [tilespmem:s20+$0x0]  }
0xf2: {  	s22 =	sor.u32 s0, s11;
	v49 =	vld [tilespmem:s21+$0x0]  }
0xf3: {  	s23 =	sor.u32 s31, s11;
	v50 =	vld [tilespmem:s22+$0x0]  }
0xf4: {  	s24 =	sor.u32 s1, s11;
	v51 =	vld [tilespmem:s23+$0x0]  }
0xf5: {  	s25 =	sor.u32 s0, s12;
	v52 =	vld [tilespmem:s24+$0x0]  }
0xf6: {  	s26 =	sor.u32 s31, s12;
	v53 =	vld [tilespmem:s25+$0x0]  }
0xf7: {  	s28 =	sor.u32 s1, s12;
	v54 =	vld [tilespmem:s26+$0x0]  }
0xf8: {  	s10 =	sor.u32 s1, s14;
	v55 =	vld [tilespmem:s28+$0x0]  }
0xf9: {  	s12 =	sor.u32 s31, s2;
	v61 =	vld [tilespmem:s10+$0x0]  }
0xfa: {  	v10 =	vadd.f32 v11, v10;
	s6 =	sor.u32 s31, s8;
	v63 =	vld [tilespmem:s12+$0x0]  }
0xfb: {  	s7 =	sor.u32 s1, s8;
	v42 =	vld [tilespmem:s6+$0x0]  }
0xfc: {  	v10 =	vadd.f32 v13, v10;
	s8 =	sor.u32 s0, s9;
	v43 =	vld [tilespmem:s7+$0x0]  }
0xfd: {  	s30 =	sor.u32 s0, s13;
	v44 =	vld [tilespmem:s8+$0x0]  }
0xfe: {  	v10 =	vadd.f32 v15, v10;
	s9 =	sor.u32 s31, s14;
	v56 =	vld [tilespmem:s30+$0x0]  }
0xff: {  	s6 =	sor.u32 s31, s13;
	v60 =	vld [tilespmem:s9+$0x0]  }
0x100: {  	v10 =	vadd.f32 v17, v10;
	s7 =	sor.u32 s1, s13;
	v57 =	vld [tilespmem:s6+$0x0]  }
0x101: {  	s11 =	simm.s32 $0x200;
	s8 =	sor.u32 s0, s14;
	v58 =	vld [tilespmem:s7+$0x0]  }
0x102: {  	v16 =	vadd.f32 v18, v16;
	v10 =	vadd.f32 v19, v10;
	s19 =	simm.s32 $0x40;
	s0 =	sor.u32 s0, s2;
	s13 =	sand.u32 $0x1C00, s11;
	v59 =	vld [tilespmem:s8+$0x0]  }
0x103: {  	s2 =	sor.u32 s1, s2;
	s6 =	sand.u32 $0x40, s19;
	v62 =	vld [tilespmem:s0+$0x0];
	s0 =	sadd.s32 $0xC880, s13  }
0x104: {  	v16 =	vadd.f32 v24, v16;
	v10 =	vadd.f32 v21, v10;
	v3 =	vld [tilespmem:s2+$0x0];
	s15 =	sor.u32 s6, s0  }
0x105: {  	s18 =	sor.u32 $0x30, s6;
	v2 =	vld [tilespmem:s15+$0x0]  }
0x106: {  	v9 =	vadd.f32 v9, v10;
	v10 =	vadd.f32 v27, v16;
	s14 =	sor.u32 s18, s0;
	v27 =	vld [tilespmem:s15+$0x100]  }
0x107: {  	v11 =	vld [tilespmem:s14+$0x0]  }
0x108: {  	v13 =	vld [tilespmem:s14+$0x80]  }
0x109: {  	v15 =	vld [tilespmem:s14+$0x100]  }
0x10a: {  	v1 =	vld [tilespmem:s14+$0x180]  }
0x10b: {  	v17 =	vld [tilespmem:s14+$0x200]  }
0x10c: {  	v12 =	vadd.f32 v14, v12;
	v14 =	vld [tilespmem:s14+$0x280]  }
0x10d: {  	s11 =	sadd.s32 $0xDC80, s13;
	v19 =	vld [tilespmem:s14+$0x300]  }
0x10e: {  	v18 =	vadd.f32 v22, v20;
	s10 =	sadd.s32 $0xDD00, s13;
	s20 =	sor.u32 s18, s11;
	v20 =	vld [tilespmem:s14+$0x380]  }
0x10f: {  	v12 =	vadd.f32 v23, v12;
	s4 =	sadd.s32 $0xDD80, s13;
	s21 =	sor.u32 s18, s10;
	v21 =	vld [tilespmem:s20+$0x0]  }
0x110: {  	v18 =	vadd.f32 v25, v18;
	s9 =	sadd.s32 $0xDE00, s13;
	s22 =	sor.u32 s18, s4;
	v23 =	vld [tilespmem:s21+$0x0]  }
0x111: {  	v26 =	vadd.f32 v26, v12;
	s8 =	sadd.s32 $0xDE80, s13;
	s23 =	sor.u32 s18, s9;
	v12 =	vld [tilespmem:s22+$0x0]  }
0x112: {  	v28 =	vadd.f32 v28, v18;
	s30 =	sadd.s32 $0xDF00, s13;
	s24 =	sor.u32 s18, s8;
	v18 =	vld [tilespmem:s23+$0x0]  }
0x113: {  	v7 =	vadd.f32 v7, v9;
	v30 =	vadd.f32 v30, v10;
	s7 =	sadd.s32 $0xDF80, s13;
	s25 =	sor.u32 s18, s30;
	v10 =	vld [tilespmem:s24+$0x0]  }
0x114: {  	v22 =	vadd.f32 v29, v26;
	s26 =	sor.u32 s18, s7;
	v9 =	vld [tilespmem:s25+$0x0]  }
0x115: {  	v4 =	vadd.f32 v4, v7;
	v7 =	vld [tilespmem:s26+$0x0]  }
0x116: {  	v16 =	vadd.f32 v31, v28;
	v22 =	vadd.f32 v32, v22;
	v28 =	vld [tilespmem:s15+$0x180]  }
0x117: {  	v24 =	vadd.f32 v33, v30;
	v4 =	vadd.f32 v8, v4;
	v30 =	vld [tilespmem:s15+$0x200]  }
0x118: {  	s29 =	sor.u32 $0x10, s6;
	v32 =	vld [tilespmem:s15+$0x280];
	v34 =	vadd.f32 v34, v16;
	v22 =	vadd.f32 v35, v22  }
0x119: {  	s14 =	sor.u32 s29, s0;
	v8 =	vadd.f32 v36, v24;
	v24 =	vld [tilespmem:s15+$0x80];
	v4 =	vadd.f32 v6, v4  }
0x11a: {  	v26 =	vld [tilespmem:s14+$0x0];
	v25 =	vadd.f32 v37, v34;
	v22 =	vadd.f32 v38, v22  }
0x11b: {  	v6 =	vadd.f32 v39, v8;
	v4 =	vadd.f32 v5, v4;
	v38 =	vld [tilespmem:$0x1FFD0]  }
0x11c: {  	v8 =	vld [tilespmem:s14+$0x80];
	v11 =	vadd.f32 v13, v11;
	v25 =	vadd.f32 v40, v25  }
0x11d: {  	v29 =	vld [tilespmem:s14+$0x180];
	v22 =	vadd.f32 v41, v22;
	v5 =	vadd.f32 v42, v6  }
0x11e: {  	v31 =	vld [tilespmem:s14+$0x200];
	v11 =	vadd.f32 v15, v11;
	v2 =	vadd.f32 v24, v2  }
0x11f: {  	s28 =	sor.u32 $0xE000, s13;
	v39 =	vld [tilespmem:$0x1FFE0];
	v25 =	vadd.f32 v43, v25;
	v22 =	vadd.f32 v44, v22  }
0x120: {  	s13 =	sor.u32 s18, s28;
	v6 =	vld [tilespmem:s14+$0x100];
	v5 =	vadd.f32 v45, v5;
	v4 =	vadd.f32 v38, v4  }
0x121: {  	v16 =	vld [tilespmem:s13+$0x0];
	v1 =	vadd.f32 v1, v11;
	v8 =	vadd.f32 v8, v26  }
0x122: {  	v40 =	vld [tilespmem:$0x1FFF0];
	v2 =	vadd.f32 v27, v2;
	v25 =	vadd.f32 v46, v25  }
0x123: {  	v41 =	vld [tilespmem:s14+$0x280];
	v22 =	vadd.f32 v47, v22;
	v5 =	vadd.f32 v48, v5  }
0x124: {  	s12 =	sor.u32 $0x20, s6;
	v42 =	vld [tilespmem:s15+$0x300];
	v4 =	vadd.f32 v39, v4;
	v1 =	vadd.f32 v17, v1  }
0x125: {  	s0 =	sor.u32 s12, s0;
	v43 =	vld [tilespmem:s15+$0x380];
	v6 =	vadd.f32 v6, v8;
	v25 =	vadd.f32 v49, v25  }
0x126: {  	v11 =	vld [tilespmem:s0+$0x80];
	v2 =	vadd.f32 v28, v2;
	v22 =	vadd.f32 v50, v22  }
0x127: {  	v47 =	vld [tilespmem:s0+$0x0];
	v5 =	vadd.f32 v51, v5;
	v25 =	vadd.f32 v52, v25  }
0x128: {  	v44 =	vld [tilespmem:s14+$0x300];
	v4 =	vadd.f32 v40, v4;
	v1 =	vadd.f32 v14, v1  }
0x129: {  	v45 =	vld [tilespmem:s14+$0x380];
	v6 =	vadd.f32 v29, v6;
	v25 =	vadd.f32 v55, v25  }
0x12a: {  	s15 =	sor.u32 s6, s11;
	v48 =	vld [tilespmem:s0+$0x100];
	v2 =	vadd.f32 v30, v2;
	v22 =	vadd.f32 v53, v22  }
0x12b: {  	v8 =	vld [tilespmem:s15+$0x0];
	v5 =	vadd.f32 v54, v5;
	v46 =	vadd.f32 v58, v25  }
0x12c: {  	v49 =	vld [tilespmem:s0+$0x180];
	v11 =	vadd.f32 v11, v47;
	v1 =	vadd.f32 v19, v1  }
0x12d: {  	v50 =	vld [tilespmem:s0+$0x280];
	v6 =	vadd.f32 v31, v6;
	v15 =	vadd.f32 v61, v46  }
0x12e: {  	v51 =	vld [tilespmem:s0+$0x300];
	v2 =	vadd.f32 v32, v2;
	v22 =	vadd.f32 v56, v22  }
0x12f: {  	v5 =	vadd.f32 v57, v5;
	v15 =	vadd.f32 v3, v15;
	v3 =	vld [tilespmem:s0+$0x200]  }
0x130: {  	s20 =	sor.u32 s29, s11;
	v52 =	vld [tilespmem:s0+$0x380];
	v11 =	vadd.f32 v48, v11;
	v1 =	vadd.f32 v20, v1  }
0x131: {  	s21 =	sor.u32 s12, s11;
	v53 =	vld [tilespmem:s20+$0x0];
	v6 =	vadd.f32 v41, v6;
	v2 =	vadd.f32 v42, v2  }
0x132: {  	s22 =	sor.u32 s6, s10;
	v54 =	vld [tilespmem:s21+$0x0];
	v11 =	vadd.f32 v49, v11;
	v1 =	vadd.f32 v21, v1  }
0x133: {  	s23 =	sor.u32 s29, s10;
	v55 =	vld [tilespmem:s22+$0x0];
	v22 =	vadd.f32 v59, v22;
	v5 =	vadd.f32 v60, v5  }
0x134: {  	s25 =	sor.u32 s6, s4;
	v56 =	vld [tilespmem:s23+$0x0];
	v1 =	vadd.f32 v23, v1;
	v3 =	vadd.f32 v3, v11  }
0x135: {  	s26 =	sor.u32 s29, s4;
	v57 =	vld [tilespmem:s25+$0x0];
	v6 =	vadd.f32 v44, v6;
	v2 =	vadd.f32 v43, v2  }
0x136: {  	s2 =	sor.u32 s12, s4;
	v58 =	vld [tilespmem:s26+$0x0];
	v1 =	vadd.f32 v12, v1;
	v3 =	vadd.f32 v50, v3  }
0x137: {  	s4 =	sor.u32 s6, s9;
	v59 =	vld [tilespmem:s2+$0x0];
	v22 =	vadd.f32 v62, v22;
	v5 =	vadd.f32 v63, v5  }
0x138: {  	s24 =	sor.u32 s12, s10;
	v60 =	vld [tilespmem:s4+$0x0];
	v1 =	vadd.f32 v18, v1;
	v3 =	vadd.f32 v51, v3  }
0x139: {  	s5 =	sor.u32 s29, s9;
	v6 =	vadd.f32 v45, v6;
	v2 =	vadd.f32 v8, v2;
	v11 =	vld [tilespmem:s24+$0x0]  }
0x13a: {  	s13 =	sor.u32 s29, s8;
	v61 =	vld [tilespmem:s5+$0x0];
	v1 =	vadd.f32 v10, v1;
	v3 =	vadd.f32 v52, v3  }
0x13b: {  	s9 =	sor.u32 s12, s9;
	v62 =	vld [tilespmem:s13+$0x0];
	v6 =	vadd.f32 v53, v6;
	v2 =	vadd.f32 v55, v2  }
0x13c: {  	s10 =	sor.u32 s6, s8;
	s11 =	sand.u32 $0x380, s17;
	v8 =	vld [tilespmem:s9+$0x0];
	v1 =	vadd.f32 v9, v1;
	v3 =	vadd.f32 v54, v3  }
0x13d: {  	s14 =	sadd.s32 $0x7780, s11;
	s15 =	sor.u32 s12, s8;
	v6 =	vadd.f32 v56, v6;
	v2 =	vadd.f32 v57, v2;
	v10 =	vld [tilespmem:s10+$0x0]  }
0x13e: {  	s17 =	sor.u32 s31, s14;
	s20 =	sor.u32 s6, s30;
	v9 =	vld [tilespmem:s15+$0x0];
	v7 =	vadd.f32 v7, v1;
	v3 =	vadd.f32 v11, v3  }
0x13f: {  	s23 =	sor.u32 s6, s7;
	s26 =	sand.u32 $0x380, s19;
	s0 =	sor.u32 s3, s14;
	[tilespmem:s17+$0x0] =	vst v5;
	v6 =	vadd.f32 v58, v6;
	v63 =	vadd.f32 v60, v2;
	v11 =	vld [tilespmem:s20+$0x0]  }
0x140: {  	s21 =	sor.u32 s29, s30;
	s22 =	sor.u32 s12, s30;
	s30 =	sadd.s32 $0x7780, s26;
	[tilespmem:s0+$0x0] =	vst v4;
	v2 =	vld [tilespmem:s23+$0x0];
	v5 =	vadd.f32 v16, v7;
	v4 =	vadd.f32 v59, v3  }
0x141: {  	s1 =	sor.u32 s1, s14;
	s25 =	sor.u32 s12, s7;
	s31 =	sor.u32 s18, s30;
	v6 =	vadd.f32 v61, v6;
	v1 =	vld [tilespmem:s21+$0x0]  }
0x142: {  	s4 =	sor.u32 s29, s28;
	s8 =	sor.u32 s29, s30;
	s9 =	sor.u32 s12, s28;
	v10 =	vadd.f32 v10, v63;
	[tilespmem:s31+$0x0] =	vst v5;
	v5 =	vld [tilespmem:s25+$0x0];
	v7 =	vadd.f32 v8, v4  }
0x143: {  	[tilespmem:s16+$0x0] =	vst v22;
	s3 =	simm.s32 $0x400;
	s17 =	simm.s32 $0x80;
	s24 =	sor.u32 s29, s7;
	v3 =	vld [tilespmem:s22+$0x0];
	v8 =	vadd.f32 v62, v6  }
0x144: {  	[tilespmem:s1+$0x0] =	vst v15;
	s1 =	simm.s32 $0x4;
	s10 =	sor.u32 s6, s28;
	s29 =	sor.u32 s12, s30;
	v4 =	vld [tilespmem:s24+$0x0];
	v6 =	vadd.f32 v11, v10;
	v7 =	vadd.f32 v9, v7  }
.LBB2_6:
0x145: {  	s31 =	sand.u32 $0x40, s17;
	s11 =	sand.u32 $0x1C00, s3;
	v9 =	vld [tilespmem:s10+$0x0]  }
0x146: {  	s0 =	sadd.s32 $0xC880, s11;
	s6 =	sor.u32 $0x30, s31;
	v1 =	vadd.f32 v1, v8;
	v8 =	vld [tilespmem:s4+$0x0]  }
0x147: {  	s2 =	sor.u32 s6, s0;
	v2 =	vadd.f32 v2, v6;
	v6 =	vld [tilespmem:s9+$0x0]  }
0x148: {  	v3 =	vadd.f32 v3, v7;
	v7 =	vld [tilespmem:s2+$0x0]  }
0x149: {  	s19 =	sor.u32 s31, s0;
	v1 =	vadd.f32 v4, v1;
	v4 =	vld [tilespmem:s2+$0x80]  }
0x14a: {  	v3 =	vadd.f32 v5, v3;
	v5 =	vld [tilespmem:s19+$0x0];
	v2 =	vadd.f32 v9, v2  }
0x14b: {  	s16 =	sadd.s32 $0x40, s16;
	v9 =	vld [tilespmem:s2+$0x100]  }
0x14c: {  	v1 =	vadd.f32 v8, v1;
	v8 =	vld [tilespmem:s19+$0x80];
	[tilespmem:s16+$0x0] =	vst v2;
	v2 =	vadd.f32 v6, v3  }
0x14d: {  	v3 =	vld [tilespmem:s2+$0x180]  }
0x14e: {  	s28 =	sor.u32 $0x10, s31;
	[tilespmem:s29+$0x0] =	vst v2;
	v2 =	vld [tilespmem:s2+$0x200]  }
0x14f: {  	s7 =	sor.u32 s28, s0;
	[tilespmem:s8+$0x0] =	vst v1;
	v4 =	vadd.f32 v4, v7;
	v7 =	vld [tilespmem:s2+$0x280]  }
0x150: {  	v1 =	vld [tilespmem:s7+$0x0]  }
0x151: {  	s30 =	sor.u32 $0x20, s31;
	v6 =	vld [tilespmem:s7+$0x80]  }
0x152: {  	s18 =	sor.u32 s30, s0;
	v10 =	vld [tilespmem:s7+$0x100];
	v4 =	vadd.f32 v9, v4  }
0x153: {  	v9 =	vld [tilespmem:s18+$0x80]  }
0x154: {  	v5 =	vadd.f32 v8, v5;
	v8 =	vld [tilespmem:s18+$0x0];
	v3 =	vadd.f32 v3, v4  }
0x155: {  	v4 =	vld [tilespmem:s2+$0x300]  }
0x156: {  	s21 =	sadd.s32 $0xDC80, s11;
	v2 =	vadd.f32 v2, v3;
	v3 =	vld [tilespmem:s2+$0x380]  }
0x157: {  	s24 =	sor.u32 s6, s21;
	v1 =	vadd.f32 v6, v1;
	v6 =	vld [tilespmem:s19+$0x100]  }
0x158: {  	s25 =	sadd.s32 $0xDD00, s11;
	v2 =	vadd.f32 v7, v2;
	v7 =	vld [tilespmem:s24+$0x0]  }
0x159: {  	s5 =	sor.u32 s6, s25;
	v1 =	vadd.f32 v10, v1;
	v10 =	vld [tilespmem:s7+$0x180]  }
0x15a: {  	v2 =	vadd.f32 v4, v2;
	v4 =	vadd.f32 v9, v8;
	v8 =	vld [tilespmem:s5+$0x0]  }
0x15b: {  	s8 =	sadd.s32 $0xDD80, s11;
	v9 =	vld [tilespmem:s18+$0x100]  }
0x15c: {  	s12 =	sadd.s32 $0xDE00, s11;
	s10 =	sor.u32 s6, s8;
	v2 =	vadd.f32 v3, v2;
	v3 =	vadd.f32 v6, v5;
	v6 =	vld [tilespmem:s19+$0x180]  }
0x15d: {  	s14 =	sadd.s32 $0xDE80, s11;
	s22 =	sor.u32 s31, s21;
	s23 =	sor.u32 s28, s21;
	v5 =	vld [tilespmem:s10+$0x0]  }
0x15e: {  	s0 =	sor.u32 s30, s21;
	s13 =	sor.u32 s6, s12;
	[dreg:$0xe] =	wrdreg s22;
	v1 =	vadd.f32 v10, v1;
	v10 =	vld [tilespmem:s7+$0x200];
	v2 =	vadd.f32 v7, v2  }
0x15f: {  	s26 =	sor.u32 s31, s25;
	[dreg:$0x8] =	wrdreg s23;
	s4 =	sor.u32 s6, s14;
	v7 =	vld [tilespmem:s13+$0x0]  }
0x160: {  	s20 =	sor.u32 s31, s12;
	s21 =	sor.u32 s28, s12;
	[dreg:$0xb] =	wrdreg s0;
	v2 =	vadd.f32 v8, v2;
	v8 =	vld [tilespmem:s4+$0x0]  }
0x161: {  	[dreg:$0xf] =	wrdreg s26;
	s9 =	sor.u32 s28, s8;
	s5 =	sadd.s32 $0xDF00, s11;
	v3 =	vadd.f32 v6, v3;
	v6 =	vld [tilespmem:s19+$0x200]  }
0x162: {  	s15 =	sor.u32 s31, s14;
	[dreg:$0x10] =	wrdreg s9;
	s9 =	sor.u32 s6, s5;
	v4 =	vadd.f32 v9, v4;
	v9 =	vld [tilespmem:s18+$0x180];
	v2 =	vadd.f32 v5, v2  }
0x163: {  	s23 =	sor.u32 s31, s8;
	s22 =	sor.u32 s30, s8;
	s8 =	sadd.s32 $0xDF80, s11;
	v5 =	vld [tilespmem:s9+$0x0]  }
0x164: {  	s26 =	sor.u32 s30, s25;
	s0 =	sor.u32 s31, s8;
	s10 =	sor.u32 s6, s8;
	v1 =	vadd.f32 v10, v1;
	v10 =	vld [tilespmem:s19+$0x300];
	v2 =	vadd.f32 v7, v2  }
0x165: {  	s2 =	sor.u32 s28, s25;
	s25 =	sor.u32 s30, s12;
	s9 =	sor.u32 $0xE000, s11;
	v7 =	vld [tilespmem:s10+$0x0]  }
0x166: {  	s12 =	sor.u32 s31, s5;
	s10 =	sor.u32 s31, s9;
	s31 =	sor.u32 s6, s9;
	v2 =	vadd.f32 v8, v2;
	v3 =	vadd.f32 v6, v3;
	v6 =	vld [tilespmem:s7+$0x280]  }
0x167: {  	v8 =	vld [tilespmem:s31+$0x0]  }
0x168: {  	v2 =	vadd.f32 v5, v2;
	v5 =	vld [tilespmem:s19+$0x280]  }
0x169: {  	v4 =	vadd.f32 v9, v4;
	v9 =	vld [tilespmem:s18+$0x200]  }
0x16a: {  	v2 =	vadd.f32 v7, v2;
	v7 =	vld [tilespmem:s18+$0x280]  }
0x16b: {  	v1 =	vadd.f32 v6, v1;
	v6 =	vld [tilespmem:s7+$0x380]  }
0x16c: {  	s31 =	sand.u32 $0x380, s17;
	v2 =	vadd.f32 v8, v2;
	v8 =	vld [tilespmem:s7+$0x300]  }
0x16d: {  	s31 =	sadd.s32 $0x7780, s31;
	s7 =	rddreg [dreg:$0xe];
	v3 =	vadd.f32 v5, v3;
	v5 =	vld [tilespmem:s18+$0x300]  }
0x16e: {  	s6 =	sor.u32 s6, s31;
	v4 =	vadd.f32 v9, v4;
	v9 =	vld [tilespmem:s7+$0x0]  }
0x16f: {  	[dreg:$0xa] =	wrdreg s2;
	s24 =	sor.u32 s28, s14;
	[tilespmem:s6+$0x0] =	vst v2;
	v2 =	vld [tilespmem:s19+$0x380]  }
0x170: {  	s2 =	sor.u32 s30, s5;
	s13 =	sor.u32 s30, s14;
	s14 =	sor.u32 s28, s5;
	v4 =	vadd.f32 v7, v4;
	v7 =	vld [tilespmem:s18+$0x380]  }
0x171: {  	s5 =	sor.u32 s28, s8;
	s11 =	sor.u32 s30, s8;
	v3 =	vadd.f32 v10, v3;
	s18 =	rddreg [dreg:$0x8];
	v10 =	vld [tilespmem:s12+$0x0]  }
0x172: {  	s4 =	sor.u32 s28, s9;
	s8 =	sor.u32 s28, s31;
	s28 =	rddreg [dreg:$0xf];
	v1 =	vadd.f32 v8, v1;
	v8 =	vld [tilespmem:s18+$0x0]  }
0x173: {  	s19 =	rddreg [dreg:$0xb];
	v4 =	vadd.f32 v5, v4;
	v5 =	vld [tilespmem:s28+$0x0]  }
0x174: {  	s9 =	sor.u32 s30, s9;
	s29 =	sor.u32 s30, s31;
	s30 =	rddreg [dreg:$0xa];
	v2 =	vadd.f32 v2, v3;
	v3 =	vld [tilespmem:s19+$0x0]  }
0x175: {  	v1 =	vadd.f32 v6, v1;
	v6 =	vld [tilespmem:s30+$0x0]  }
0x176: {  	v4 =	vadd.f32 v7, v4;
	v7 =	vld [tilespmem:s26+$0x0]  }
0x177: {  	s31 =	rddreg [dreg:$0x10];
	v2 =	vadd.f32 v9, v2;
	v9 =	vld [tilespmem:s23+$0x0]  }
0x178: {  	v1 =	vadd.f32 v8, v1;
	v8 =	vld [tilespmem:s31+$0x0]  }
0x179: {  	v2 =	vadd.f32 v5, v2;
	v5 =	vld [tilespmem:s20+$0x0]  }
0x17a: {  	v3 =	vadd.f32 v3, v4;
	v4 =	vld [tilespmem:s22+$0x0]  }
0x17b: {  	v1 =	vadd.f32 v6, v1;
	v6 =	vld [tilespmem:s21+$0x0]  }
0x17c: {  	v3 =	vadd.f32 v7, v3;
	v7 =	vld [tilespmem:s25+$0x0]  }
0x17d: {  	v2 =	vadd.f32 v9, v2;
	v9 =	vld [tilespmem:s15+$0x0]  }
0x17e: {  	s1 =	sadd.s32 $0x4, s1;
	v1 =	vadd.f32 v8, v1;
	v8 =	vld [tilespmem:s24+$0x0]  }
0x17f: {  	p0 =	slt.u32 s1, $0x24;
	v2 =	vadd.f32 v5, v2;
	v5 =	vld [tilespmem:s13+$0x0];
	v3 =	vadd.f32 v4, v3  }
.Ltmp2:
0x180: {  	v4 =	vadd.f32 v6, v1;
	v1 =	vld [tilespmem:s14+$0x0];
	(pc) =	sbr.rel @p0 .LBB2_6-.Ltmp2, $4  }
0x181: {  	v6 =	vadd.f32 v7, v3;
	v3 =	vld [tilespmem:s2+$0x0]  }
0x182: {  	v9 =	vadd.f32 v9, v2;
	v2 =	vld [tilespmem:s0+$0x0]  }
0x183: {  	v8 =	vadd.f32 v8, v4;
	v4 =	vld [tilespmem:s5+$0x0]  }
0x184: {  	s3 =	sadd.s32 $0x200, s3;
	s17 =	sadd.s32 $0x40, s17;
	v7 =	vadd.f32 v5, v6;
	v6 =	vadd.f32 v10, v9;
	v5 =	vld [tilespmem:s11+$0x0]  }
0x185: {  	v9 =	vld [tilespmem:s10+$0x0]  }
0x186: {  	v10 =	vld [tilespmem:s4+$0x0]  }
0x187: {  	v1 =	vadd.f32 v1, v8;
	v8 =	vld [tilespmem:s9+$0x0]  }
0x188: {  	v3 =	vadd.f32 v3, v7;
	v2 =	vadd.f32 v2, v6  }
0x189: {  	v1 =	vadd.f32 v4, v1  }
0x18a: {  	v3 =	vadd.f32 v5, v3;
	v2 =	vadd.f32 v9, v2  }
0x18b: {  	s0 =	sadd.s32 $0x40, s16;
	v1 =	vadd.f32 v10, v1  }
0x18c: {  	[tilespmem:s0+$0x0] =	vst v2;
	v2 =	vadd.f32 v8, v3  }
0x18d: {  	[tilespmem:s8+$0x0] =	vst v1  }
0x18e: {  	s1 =	simm.s32 $0x7780;
	[tilespmem:s29+$0x0] =	vst v2  }
0x18f: {  	s2 =	simm.s32 $0x80;
	s3 =	simm.s32 $0x100;
	s0 =	rddreg [dreg:$0x19]  }
0x190: {  	[hbm4b:s0+s2] =	stream.strided.scatter [tilespmem:s1], [sflag:$0x3], $0x280, s3, s2, $0x38;
	[tilespmem:$0x16880] =	vst v63  }
0x191: {  	s17 =	simm.s32 $0x2;
	s3 =	simm.s32 $0x0  }
0x192: {  	_ =	swait.ge [sflag:s17], $0x2800;
	s0 =	sand.u32 $0x40, s3;
	s18 =	sand.u32 $0x1C00, s3  }
0x193: {  	[sflag:s17] =	ssyncset.done $0x0;
	s5 =	sadd.s32 $0xF080, s18;
	s2 =	sor.u32 $0x30, s0  }
0x194: {  	[sflag:s17] =	ssyncadd.s32 $0xFFFFD800;
	s6 =	sor.u32 s2, s5  }
0x195: {  	v10 =	vld [tilespmem:s6+$0x0]  }
0x196: {  	s7 =	sor.u32 s0, s5;
	v11 =	vld [tilespmem:s6+$0x80]  }
0x197: {  	v12 =	vld [tilespmem:s7+$0x0]  }
0x198: {  	v13 =	vld [tilespmem:s6+$0x100]  }
0x199: {  	v14 =	vld [tilespmem:s7+$0x80]  }
0x19a: {  	v15 =	vld [tilespmem:s6+$0x180]  }
0x19b: {  	v17 =	vld [tilespmem:s6+$0x200]  }
0x19c: {  	v19 =	vld [tilespmem:s6+$0x280]  }
0x19d: {  	v21 =	vld [tilespmem:s6+$0x300]  }
0x19e: {  	s20 =	sadd.s32 $0x10480, s18;
	v9 =	vld [tilespmem:s6+$0x380]  }
0x19f: {  	s22 =	sadd.s32 $0x10500, s18;
	s21 =	sor.u32 s2, s20;
	v23 =	vld [tilespmem:s7+$0x100]  }
0x1a0: {  	s11 =	sadd.s32 $0x10580, s18;
	s23 =	sor.u32 s2, s22;
	v8 =	vld [tilespmem:s21+$0x0]  }
0x1a1: {  	s24 =	sor.u32 s2, s11;
	v4 =	vld [tilespmem:s23+$0x0]  }
0x1a2: {  	s12 =	sadd.s32 $0x10600, s18;
	v7 =	vld [tilespmem:s24+$0x0]  }
0x1a3: {  	s13 =	sadd.s32 $0x10680, s18;
	s25 =	sor.u32 s2, s12;
	v26 =	vld [tilespmem:s7+$0x180]  }
0x1a4: {  	s14 =	sadd.s32 $0x10700, s18;
	s26 =	sor.u32 s2, s13;
	v6 =	vld [tilespmem:s25+$0x0]  }
0x1a5: {  	s17 =	sor.u32 $0x10, s0;
	s28 =	sor.u32 s2, s14;
	v5 =	vld [tilespmem:s26+$0x0]  }
0x1a6: {  	s19 =	sor.u32 s17, s5;
	v1 =	vld [tilespmem:s28+$0x0]  }
0x1a7: {  	s1 =	sor.u32 $0x20, s0;
	v16 =	vld [tilespmem:s19+$0x0]  }
0x1a8: {  	s5 =	sor.u32 s1, s5;
	v18 =	vld [tilespmem:s19+$0x80]  }
0x1a9: {  	v20 =	vld [tilespmem:s5+$0x0]  }
0x1aa: {  	v22 =	vld [tilespmem:s5+$0x80]  }
0x1ab: {  	v24 =	vld [tilespmem:s19+$0x100]  }
0x1ac: {  	v25 =	vld [tilespmem:s5+$0x100]  }
0x1ad: {  	s15 =	sadd.s32 $0x10780, s18;
	v27 =	vld [tilespmem:s19+$0x180]  }
0x1ae: {  	s30 =	sor.u32 s2, s15;
	v28 =	vld [tilespmem:s5+$0x180];
	[tilespmem:$0x1FFA0] =	vst v1  }
0x1af: {  	v1 =	vld [tilespmem:s30+$0x0];
	_ =	sdelay $0x3  }
0x1b0: {  	s4 =	sadd.s32 $0x10800, s18  }
0x1b1: {  	s31 =	sor.u32 s2, s4;
	v29 =	vld [tilespmem:s7+$0x200];
	[tilespmem:$0x1FFB0] =	vst v1  }
0x1b2: {  	v1 =	vld [tilespmem:s31+$0x0];
	_ =	sdelay $0x4  }
0x1b3: {  	v30 =	vld [tilespmem:s19+$0x200];
	[tilespmem:$0x1FFC0] =	vst v1  }
0x1b4: {  	v31 =	vld [tilespmem:s5+$0x200]  }
0x1b5: {  	v32 =	vld [tilespmem:s7+$0x280]  }
0x1b6: {  	v33 =	vld [tilespmem:s19+$0x280]  }
0x1b7: {  	v34 =	vld [tilespmem:s5+$0x280]  }
0x1b8: {  	v35 =	vld [tilespmem:s7+$0x300]  }
0x1b9: {  	v36 =	vld [tilespmem:s19+$0x300]  }
0x1ba: {  	v37 =	vld [tilespmem:s5+$0x300]  }
0x1bb: {  	v38 =	vld [tilespmem:s7+$0x380]  }
0x1bc: {  	v39 =	vld [tilespmem:s19+$0x380]  }
0x1bd: {  	s16 =	sor.u32 s0, s20;
	v40 =	vld [tilespmem:s5+$0x380]  }
0x1be: {  	s18 =	sor.u32 s17, s20;
	v41 =	vld [tilespmem:s16+$0x0]  }
0x1bf: {  	s21 =	sor.u32 s17, s22;
	v42 =	vld [tilespmem:s18+$0x0]  }
0x1c0: {  	s23 =	sor.u32 s0, s11;
	v45 =	vld [tilespmem:s21+$0x0]  }
0x1c1: {  	s24 =	sor.u32 s17, s11;
	v47 =	vld [tilespmem:s23+$0x0]  }
0x1c2: {  	s25 =	sor.u32 s1, s11;
	v48 =	vld [tilespmem:s24+$0x0]  }
0x1c3: {  	s26 =	sor.u32 s0, s12;
	v49 =	vld [tilespmem:s25+$0x0]  }
0x1c4: {  	s28 =	sor.u32 s17, s12;
	v50 =	vld [tilespmem:s26+$0x0]  }
0x1c5: {  	s30 =	sor.u32 s1, s12;
	v51 =	vld [tilespmem:s28+$0x0]  }
0x1c6: {  	s31 =	sor.u32 s0, s13;
	v52 =	vld [tilespmem:s30+$0x0]  }
0x1c7: {  	s8 =	sor.u32 s1, s13;
	v53 =	vld [tilespmem:s31+$0x0]  }
0x1c8: {  	s9 =	sor.u32 s0, s14;
	v55 =	vld [tilespmem:s8+$0x0]  }
0x1c9: {  	s10 =	sor.u32 s17, s14;
	v56 =	vld [tilespmem:s9+$0x0]  }
0x1ca: {  	s11 =	sor.u32 s1, s14;
	v57 =	vld [tilespmem:s10+$0x0]  }
0x1cb: {  	s12 =	sor.u32 s0, s15;
	v58 =	vld [tilespmem:s11+$0x0]  }
0x1cc: {  	s14 =	sor.u32 s1, s15;
	v59 =	vld [tilespmem:s12+$0x0]  }
0x1cd: {  	s19 =	sor.u32 s1, s20;
	v61 =	vld [tilespmem:s14+$0x0]  }
0x1ce: {  	s20 =	sor.u32 s0, s22;
	v43 =	vld [tilespmem:s19+$0x0]  }
0x1cf: {  	s22 =	sor.u32 s1, s22;
	v44 =	vld [tilespmem:s20+$0x0]  }
0x1d0: {  	s7 =	sor.u32 s17, s13;
	v46 =	vld [tilespmem:s22+$0x0]  }
0x1d1: {  	s13 =	sor.u32 s17, s15;
	v54 =	vld [tilespmem:s7+$0x0]  }
0x1d2: {  	s0 =	sor.u32 s0, s4;
	s15 =	simm.s32 $0x200;
	s18 =	simm.s32 $0x40;
	v60 =	vld [tilespmem:s13+$0x0]  }
0x1d3: {  	s16 =	sor.u32 s17, s4;
	s19 =	sand.u32 $0x40, s18;
	s20 =	sand.u32 $0x1C00, s15;
	v62 =	vld [tilespmem:s0+$0x0]  }
0x1d4: {  	s4 =	sor.u32 s1, s4;
	v63 =	vld [tilespmem:s16+$0x0];
	s21 =	sadd.s32 $0xF080, s20;
	s31 =	sor.u32 $0x30, s19  }
0x1d5: {  	v10 =	vadd.f32 v11, v10;
	v3 =	vld [tilespmem:s4+$0x0];
	s22 =	sor.u32 s31, s21  }
0x1d6: {  	v11 =	vld [tilespmem:s22+$0x0]  }
0x1d7: {  	v10 =	vadd.f32 v13, v10;
	s23 =	sor.u32 s19, s21;
	v13 =	vld [tilespmem:s22+$0x80]  }
0x1d8: {  	v2 =	vld [tilespmem:s23+$0x0]  }
0x1d9: {  	v10 =	vadd.f32 v15, v10;
	v15 =	vld [tilespmem:s22+$0x100]  }
0x1da: {  	v1 =	vld [tilespmem:s22+$0x180]  }
0x1db: {  	v10 =	vadd.f32 v17, v10;
	v17 =	vld [tilespmem:s22+$0x200]  }
0x1dc: {  	v12 =	vadd.f32 v14, v12;
	v14 =	vld [tilespmem:s22+$0x280]  }
0x1dd: {  	v16 =	vadd.f32 v18, v16;
	v10 =	vadd.f32 v19, v10;
	s24 =	sadd.s32 $0x10480, s20;
	v18 =	vld [tilespmem:s22+$0x300]  }
0x1de: {  	v12 =	vadd.f32 v23, v12;
	v19 =	vadd.f32 v22, v20;
	s26 =	sadd.s32 $0x10500, s20;
	s25 =	sor.u32 s31, s24;
	v20 =	vld [tilespmem:s22+$0x380]  }
0x1df: {  	v16 =	vadd.f32 v24, v16;
	v10 =	vadd.f32 v21, v10;
	s4 =	sadd.s32 $0x10580, s20;
	s28 =	sor.u32 s31, s26;
	v21 =	vld [tilespmem:s25+$0x0]  }
0x1e0: {  	v12 =	vadd.f32 v26, v12;
	s8 =	sadd.s32 $0x10600, s20;
	s30 =	sor.u32 s31, s4;
	v22 =	vld [tilespmem:s28+$0x0]  }
0x1e1: {  	v9 =	vadd.f32 v9, v10;
	v10 =	vadd.f32 v27, v16;
	s7 =	sor.u32 s31, s8;
	v16 =	vld [tilespmem:s30+$0x0]  }
0x1e2: {  	v29 =	vadd.f32 v29, v12;
	v19 =	vadd.f32 v25, v19;
	s29 =	sor.u32 $0x10, s19;
	v12 =	vld [tilespmem:s7+$0x0]  }
0x1e3: {  	s15 =	sor.u32 s29, s21;
	v25 =	vld [tilespmem:s23+$0x80]  }
0x1e4: {  	v19 =	vadd.f32 v28, v19;
	v26 =	vld [tilespmem:s15+$0x0]  }
0x1e5: {  	v8 =	vadd.f32 v8, v9;
	s6 =	sadd.s32 $0x10800, s20;
	v27 =	vld [tilespmem:s23+$0x100]  }
0x1e6: {  	v30 =	vadd.f32 v30, v10;
	s11 =	sor.u32 s31, s6;
	v28 =	vld [tilespmem:s23+$0x180];
	v19 =	vadd.f32 v31, v19  }
0x1e7: {  	v23 =	vadd.f32 v32, v29;
	v32 =	vadd.f32 v4, v8;
	v4 =	vld [tilespmem:s11+$0x0]  }
0x1e8: {  	v24 =	vadd.f32 v33, v30;
	v29 =	vld [tilespmem:s15+$0x180]  }
0x1e9: {  	v30 =	vld [tilespmem:s23+$0x200];
	v19 =	vadd.f32 v34, v19;
	v23 =	vadd.f32 v35, v23  }
0x1ea: {  	s30 =	sadd.s32 $0x10680, s20;
	v31 =	vld [tilespmem:s15+$0x200];
	v7 =	vadd.f32 v7, v32;
	v24 =	vadd.f32 v36, v24  }
0x1eb: {  	s7 =	sadd.s32 $0x10700, s20;
	s12 =	sor.u32 s31, s30;
	v33 =	vld [tilespmem:s15+$0x280];
	v19 =	vadd.f32 v37, v19;
	v23 =	vadd.f32 v38, v23  }
0x1ec: {  	s13 =	sor.u32 s31, s7;
	v10 =	vld [tilespmem:s12+$0x0];
	v6 =	vadd.f32 v6, v7;
	v7 =	vadd.f32 v39, v24  }
0x1ed: {  	v9 =	vld [tilespmem:s13+$0x0];
	v11 =	vadd.f32 v13, v11;
	v2 =	vadd.f32 v25, v2  }
0x1ee: {  	s28 =	sadd.s32 $0x10780, s20;
	v37 =	vld [tilespmem:$0x1FFA0];
	v19 =	vadd.f32 v40, v19;
	v23 =	vadd.f32 v41, v23  }
0x1ef: {  	s14 =	sor.u32 s31, s28;
	v24 =	vld [tilespmem:s15+$0x80];
	v5 =	vadd.f32 v5, v6;
	v6 =	vadd.f32 v42, v7  }
0x1f0: {  	v8 =	vld [tilespmem:s14+$0x0];
	v11 =	vadd.f32 v15, v11;
	v2 =	vadd.f32 v27, v2  }
0x1f1: {  	v38 =	vld [tilespmem:$0x1FFB0];
	v19 =	vadd.f32 v43, v19;
	v23 =	vadd.f32 v44, v23  }
0x1f2: {  	v7 =	vld [tilespmem:s15+$0x100];
	v6 =	vadd.f32 v45, v6;
	v1 =	vadd.f32 v1, v11  }
0x1f3: {  	s12 =	sor.u32 $0x20, s19;
	v32 =	vld [tilespmem:s23+$0x280];
	v2 =	vadd.f32 v28, v2;
	v5 =	vadd.f32 v37, v5  }
0x1f4: {  	s0 =	sor.u32 s12, s21;
	v39 =	vld [tilespmem:$0x1FFC0];
	v24 =	vadd.f32 v24, v26;
	v19 =	vadd.f32 v46, v19  }
0x1f5: {  	v43 =	vld [tilespmem:s0+$0x0];
	v23 =	vadd.f32 v47, v23;
	v6 =	vadd.f32 v48, v6  }
0x1f6: {  	v11 =	vld [tilespmem:s0+$0x80];
	v1 =	vadd.f32 v17, v1;
	v2 =	vadd.f32 v30, v2  }
0x1f7: {  	v34 =	vld [tilespmem:s23+$0x300];
	v5 =	vadd.f32 v38, v5;
	v7 =	vadd.f32 v7, v24  }
0x1f8: {  	v35 =	vld [tilespmem:s15+$0x300];
	v19 =	vadd.f32 v49, v19;
	v23 =	vadd.f32 v50, v23  }
0x1f9: {  	v44 =	vld [tilespmem:s0+$0x100];
	v6 =	vadd.f32 v51, v6;
	v1 =	vadd.f32 v14, v1  }
0x1fa: {  	v13 =	vld [tilespmem:s23+$0x380];
	v2 =	vadd.f32 v32, v2;
	v5 =	vadd.f32 v39, v5  }
0x1fb: {  	v40 =	vld [tilespmem:s15+$0x380];
	v11 =	vadd.f32 v11, v43;
	v7 =	vadd.f32 v29, v7  }
0x1fc: {  	v45 =	vld [tilespmem:s0+$0x180];
	v19 =	vadd.f32 v52, v19;
	v23 =	vadd.f32 v53, v23  }
0x1fd: {  	v46 =	vld [tilespmem:s0+$0x200];
	v6 =	vadd.f32 v54, v6;
	v1 =	vadd.f32 v18, v1  }
0x1fe: {  	v47 =	vld [tilespmem:s0+$0x280];
	v2 =	vadd.f32 v34, v2;
	v11 =	vadd.f32 v44, v11  }
0x1ff: {  	s16 =	sor.u32 s19, s24;
	v48 =	vld [tilespmem:s0+$0x300];
	v7 =	vadd.f32 v31, v7;
	v19 =	vadd.f32 v55, v19  }
0x200: {  	v50 =	vld [tilespmem:s16+$0x0];
	v23 =	vadd.f32 v56, v23;
	v6 =	vadd.f32 v57, v6  }
0x201: {  	s20 =	sor.u32 s29, s24;
	v49 =	vld [tilespmem:s0+$0x380];
	v1 =	vadd.f32 v20, v1;
	v2 =	vadd.f32 v13, v2  }
0x202: {  	s21 =	sor.u32 s12, s24;
	v51 =	vld [tilespmem:s20+$0x0];
	v11 =	vadd.f32 v45, v11;
	v7 =	vadd.f32 v33, v7  }
0x203: {  	s22 =	sor.u32 s19, s26;
	v52 =	vld [tilespmem:s21+$0x0];
	v41 =	vadd.f32 v58, v19;
	v42 =	vadd.f32 v59, v23  }
0x204: {  	s23 =	sor.u32 s29, s26;
	v53 =	vld [tilespmem:s22+$0x0];
	v6 =	vadd.f32 v60, v6;
	v1 =	vadd.f32 v21, v1  }
0x205: {  	s24 =	sor.u32 s12, s26;
	v54 =	vld [tilespmem:s23+$0x0];
	v2 =	vadd.f32 v50, v2;
	v11 =	vadd.f32 v46, v11  }
0x206: {  	s25 =	sor.u32 s19, s4;
	v55 =	vld [tilespmem:s24+$0x0];
	v7 =	vadd.f32 v35, v7;
	v1 =	vadd.f32 v22, v1  }
0x207: {  	s26 =	sor.u32 s29, s4;
	v56 =	vld [tilespmem:s25+$0x0];
	v15 =	vadd.f32 v61, v41;
	v11 =	vadd.f32 v47, v11  }
0x208: {  	s5 =	sor.u32 s12, s4;
	v57 =	vld [tilespmem:s26+$0x0];
	v19 =	vadd.f32 v62, v42;
	v1 =	vadd.f32 v16, v1  }
0x209: {  	s9 =	sor.u32 s19, s8;
	v58 =	vld [tilespmem:s5+$0x0];
	v6 =	vadd.f32 v63, v6;
	v11 =	vadd.f32 v48, v11  }
0x20a: {  	s10 =	sor.u32 s29, s8;
	v59 =	vld [tilespmem:s9+$0x0];
	v7 =	vadd.f32 v40, v7;
	v1 =	vadd.f32 v12, v1  }
0x20b: {  	s13 =	sor.u32 s19, s30;
	v60 =	vld [tilespmem:s10+$0x0];
	v2 =	vadd.f32 v53, v2;
	v11 =	vadd.f32 v49, v11  }
0x20c: {  	s14 =	sor.u32 s29, s30;
	v61 =	vld [tilespmem:s13+$0x0];
	v7 =	vadd.f32 v51, v7;
	v1 =	vadd.f32 v10, v1  }
0x20d: {  	s3 =	sand.u32 $0x380, s3;
	s11 =	sor.u32 s12, s8;
	v62 =	vld [tilespmem:s14+$0x0];
	v3 =	vadd.f32 v3, v15;
	v11 =	vadd.f32 v52, v11  }
0x20e: {  	s15 =	sadd.s32 $0x9F80, s3;
	s21 =	sor.u32 s19, s7;
	v7 =	vadd.f32 v54, v7;
	v10 =	vld [tilespmem:s11+$0x0];
	v1 =	vadd.f32 v9, v1  }
0x20f: {  	s4 =	sor.u32 s19, s6;
	s16 =	sor.u32 s12, s30;
	s0 =	sor.u32 s2, s15;
	v63 =	vld [tilespmem:s21+$0x0];
	v2 =	vadd.f32 v56, v2;
	v9 =	vadd.f32 v55, v11  }
0x210: {  	s3 =	simm.s32 $0x400;
	s1 =	sor.u32 s1, s15;
	[tilespmem:s0+$0x0] =	vst v5;
	s24 =	sor.u32 s19, s28;
	v7 =	vadd.f32 v57, v7;
	v11 =	vld [tilespmem:s16+$0x0];
	v8 =	vadd.f32 v8, v1  }
0x211: {  	s20 =	sor.u32 s17, s15;
	s22 =	sor.u32 s29, s7;
	s23 =	sor.u32 s12, s7;
	[tilespmem:s1+$0x0] =	vst v3;
	v3 =	vld [tilespmem:s24+$0x0];
	v5 =	vadd.f32 v58, v9;
	v9 =	vadd.f32 v59, v2  }
0x212: {  	s25 =	sor.u32 s29, s28;
	s26 =	sor.u32 s12, s28;
	s28 =	sand.u32 $0x380, s18;
	[tilespmem:s20+$0x0] =	vst v6;
	v2 =	vld [tilespmem:s22+$0x0];
	v6 =	vadd.f32 v4, v8;
	v4 =	vadd.f32 v60, v7  }
0x213: {  	s2 =	simm.s32 $0x9F80;
	s17 =	simm.s32 $0x80;
	s30 =	sadd.s32 $0x9F80, s28;
	v1 =	vld [tilespmem:s23+$0x0];
	v5 =	vadd.f32 v10, v5;
	v9 =	vadd.f32 v61, v9  }
0x214: {  	s10 =	sor.u32 s12, s6;
	s8 =	sor.u32 s29, s30;
	s31 =	sor.u32 s31, s30;
	[tilespmem:s2+$0x0] =	vst v19;
	v8 =	vadd.f32 v62, v4;
	v4 =	vld [tilespmem:s25+$0x0]  }
0x215: {  	s1 =	simm.s32 $0x4;
	s11 =	sor.u32 s29, s6;
	s29 =	sor.u32 s12, s30;
	[tilespmem:s31+$0x0] =	vst v6;
	v7 =	vadd.f32 v11, v5;
	v6 =	vadd.f32 v63, v9;
	v5 =	vld [tilespmem:s26+$0x0]  }
.LBB2_8:
0x216: {  	s9 =	sand.u32 $0x40, s17;
	s31 =	sand.u32 $0x1C00, s3;
	v9 =	vld [tilespmem:s4+$0x0]  }
0x217: {  	s0 =	sadd.s32 $0xF080, s31;
	s6 =	sor.u32 $0x30, s9;
	v2 =	vadd.f32 v2, v8;
	v8 =	vld [tilespmem:s11+$0x0]  }
0x218: {  	s5 =	sor.u32 s6, s0;
	v3 =	vadd.f32 v3, v6;
	v6 =	vld [tilespmem:s10+$0x0]  }
0x219: {  	v1 =	vadd.f32 v1, v7;
	v7 =	vld [tilespmem:s5+$0x0]  }
0x21a: {  	s19 =	sor.u32 s9, s0;
	v2 =	vadd.f32 v4, v2;
	v4 =	vld [tilespmem:s5+$0x80]  }
0x21b: {  	v1 =	vadd.f32 v5, v1;
	v5 =	vld [tilespmem:s19+$0x0]  }
0x21c: {  	v3 =	vadd.f32 v9, v3;
	v9 =	vld [tilespmem:s5+$0x100]  }
0x21d: {  	s2 =	sadd.s32 $0x40, s2;
	v2 =	vadd.f32 v8, v2;
	v8 =	vld [tilespmem:s19+$0x80];
	v1 =	vadd.f32 v6, v1  }
0x21e: {  	[tilespmem:s2+$0x0] =	vst v3;
	v3 =	vld [tilespmem:s5+$0x180]  }
0x21f: {  	s28 =	sor.u32 $0x10, s9;
	[tilespmem:s29+$0x0] =	vst v1;
	v1 =	vld [tilespmem:s5+$0x200]  }
0x220: {  	s7 =	sor.u32 s28, s0;
	[tilespmem:s8+$0x0] =	vst v2;
	v4 =	vadd.f32 v4, v7;
	v7 =	vld [tilespmem:s5+$0x280]  }
0x221: {  	v2 =	vld [tilespmem:s7+$0x0]  }
0x222: {  	s30 =	sor.u32 $0x20, s9;
	v6 =	vld [tilespmem:s7+$0x80]  }
0x223: {  	s18 =	sor.u32 s30, s0;
	v10 =	vld [tilespmem:s7+$0x100];
	v4 =	vadd.f32 v9, v4  }
0x224: {  	v9 =	vld [tilespmem:s18+$0x80]  }
0x225: {  	v5 =	vadd.f32 v8, v5;
	v8 =	vld [tilespmem:s18+$0x0];
	v3 =	vadd.f32 v3, v4  }
0x226: {  	v4 =	vld [tilespmem:s5+$0x300]  }
0x227: {  	s11 =	sadd.s32 $0x10480, s31;
	v1 =	vadd.f32 v1, v3;
	v3 =	vld [tilespmem:s5+$0x380]  }
0x228: {  	s14 =	sor.u32 s6, s11;
	v2 =	vadd.f32 v6, v2;
	v6 =	vld [tilespmem:s19+$0x100]  }
0x229: {  	s5 =	sadd.s32 $0x10500, s31;
	v1 =	vadd.f32 v7, v1;
	v7 =	vld [tilespmem:s14+$0x0]  }
0x22a: {  	s20 =	sor.u32 s6, s5;
	v2 =	vadd.f32 v10, v2;
	v10 =	vld [tilespmem:s7+$0x180]  }
0x22b: {  	v1 =	vadd.f32 v4, v1;
	v4 =	vadd.f32 v9, v8;
	v8 =	vld [tilespmem:s20+$0x0]  }
0x22c: {  	s21 =	sadd.s32 $0x10580, s31;
	v9 =	vld [tilespmem:s18+$0x100]  }
0x22d: {  	s24 =	sor.u32 s6, s21;
	v1 =	vadd.f32 v3, v1;
	v3 =	vadd.f32 v6, v5;
	v6 =	vld [tilespmem:s19+$0x180]  }
0x22e: {  	s25 =	sadd.s32 $0x10600, s31;
	v5 =	vld [tilespmem:s24+$0x0]  }
0x22f: {  	s10 =	sadd.s32 $0x10680, s31;
	s12 =	sor.u32 s9, s11;
	s8 =	sor.u32 s6, s25;
	v2 =	vadd.f32 v10, v2;
	v10 =	vld [tilespmem:s7+$0x200];
	v1 =	vadd.f32 v7, v1  }
0x230: {  	s13 =	sor.u32 s28, s11;
	s0 =	sor.u32 s30, s11;
	s11 =	sor.u32 s6, s10;
	v7 =	vld [tilespmem:s8+$0x0]  }
0x231: {  	[dreg:$0x11] =	wrdreg s12;
	v1 =	vadd.f32 v8, v1;
	v8 =	vld [tilespmem:s11+$0x0]  }
0x232: {  	s23 =	sor.u32 s9, s21;
	[dreg:$0x9] =	wrdreg s13;
	s12 =	sadd.s32 $0x10700, s31;
	v3 =	vadd.f32 v6, v3;
	v6 =	vld [tilespmem:s19+$0x200]  }
0x233: {  	[dreg:$0xd] =	wrdreg s0;
	s4 =	sor.u32 s6, s12;
	s15 =	sor.u32 s9, s5;
	v4 =	vadd.f32 v9, v4;
	v9 =	vld [tilespmem:s18+$0x180];
	v1 =	vadd.f32 v5, v1  }
0x234: {  	s13 =	sor.u32 s9, s12;
	[dreg:$0x12] =	wrdreg s15;
	s8 =	sadd.s32 $0x10780, s31;
	v5 =	vld [tilespmem:s4+$0x0]  }
0x235: {  	s15 =	sor.u32 s9, s10;
	s14 =	sor.u32 s30, s10;
	s11 =	sor.u32 s6, s8;
	v2 =	vadd.f32 v10, v2;
	v10 =	vld [tilespmem:s19+$0x300];
	v1 =	vadd.f32 v7, v1  }
0x236: {  	s20 =	sor.u32 s9, s25;
	s24 =	sor.u32 s28, s10;
	s10 =	sadd.s32 $0x10800, s31;
	v7 =	vld [tilespmem:s11+$0x0]  }
0x237: {  	s0 =	sor.u32 s9, s8;
	s4 =	sor.u32 s9, s10;
	s9 =	sor.u32 s6, s10;
	v1 =	vadd.f32 v8, v1;
	v3 =	vadd.f32 v6, v3;
	v6 =	vld [tilespmem:s7+$0x280]  }
0x238: {  	v8 =	vld [tilespmem:s9+$0x0]  }
0x239: {  	v1 =	vadd.f32 v5, v1;
	v5 =	vld [tilespmem:s19+$0x280]  }
0x23a: {  	v4 =	vadd.f32 v9, v4;
	v9 =	vld [tilespmem:s18+$0x200]  }
0x23b: {  	v1 =	vadd.f32 v7, v1;
	v7 =	vld [tilespmem:s18+$0x280]  }
0x23c: {  	v2 =	vadd.f32 v6, v2;
	v6 =	vld [tilespmem:s7+$0x380]  }
0x23d: {  	s9 =	sand.u32 $0x380, s17;
	v1 =	vadd.f32 v8, v1;
	v8 =	vld [tilespmem:s7+$0x300]  }
0x23e: {  	s22 =	sor.u32 s28, s21;
	s9 =	sadd.s32 $0x9F80, s9;
	s7 =	rddreg [dreg:$0x11];
	v3 =	vadd.f32 v5, v3;
	v5 =	vld [tilespmem:s18+$0x300]  }
0x23f: {  	[dreg:$0x13] =	wrdreg s22;
	s16 =	sor.u32 s28, s5;
	s6 =	sor.u32 s6, s9;
	v4 =	vadd.f32 v9, v4;
	v9 =	vld [tilespmem:s7+$0x0]  }
0x240: {  	s26 =	sor.u32 s30, s5;
	s5 =	sor.u32 s30, s12;
	[dreg:$0xc] =	wrdreg s16;
	[tilespmem:s6+$0x0] =	vst v1;
	v1 =	vld [tilespmem:s19+$0x380]  }
0x241: {  	s16 =	sor.u32 s28, s12;
	s12 =	sor.u32 s28, s8;
	s31 =	sor.u32 s30, s8;
	v4 =	vadd.f32 v7, v4;
	v7 =	vld [tilespmem:s18+$0x380]  }
0x242: {  	s8 =	sor.u32 s28, s9;
	s29 =	sor.u32 s30, s9;
	s9 =	rddreg [dreg:$0x9];
	v3 =	vadd.f32 v10, v3;
	v10 =	vld [tilespmem:s13+$0x0]  }
0x243: {  	s19 =	rddreg [dreg:$0x12];
	v2 =	vadd.f32 v8, v2;
	v8 =	vld [tilespmem:s9+$0x0]  }
0x244: {  	s18 =	rddreg [dreg:$0xd];
	v4 =	vadd.f32 v5, v4;
	v5 =	vld [tilespmem:s19+$0x0]  }
0x245: {  	s22 =	sor.u32 s28, s25;
	s11 =	sor.u32 s28, s10;
	s28 =	rddreg [dreg:$0xc];
	v1 =	vadd.f32 v1, v3;
	v3 =	vld [tilespmem:s18+$0x0]  }
0x246: {  	v2 =	vadd.f32 v6, v2;
	v6 =	vld [tilespmem:s28+$0x0]  }
0x247: {  	s21 =	sor.u32 s30, s21;
	v4 =	vadd.f32 v7, v4;
	v7 =	vld [tilespmem:s26+$0x0]  }
0x248: {  	s25 =	sor.u32 s30, s25;
	s10 =	sor.u32 s30, s10;
	s30 =	rddreg [dreg:$0x13];
	v1 =	vadd.f32 v9, v1;
	v9 =	vld [tilespmem:s23+$0x0]  }
0x249: {  	v2 =	vadd.f32 v8, v2;
	v8 =	vld [tilespmem:s30+$0x0]  }
0x24a: {  	v1 =	vadd.f32 v5, v1;
	v5 =	vld [tilespmem:s20+$0x0]  }
0x24b: {  	v3 =	vadd.f32 v3, v4;
	v4 =	vld [tilespmem:s21+$0x0]  }
0x24c: {  	v2 =	vadd.f32 v6, v2;
	v6 =	vld [tilespmem:s22+$0x0]  }
0x24d: {  	v1 =	vadd.f32 v9, v1;
	v9 =	vld [tilespmem:s15+$0x0]  }
0x24e: {  	v3 =	vadd.f32 v7, v3;
	v7 =	vld [tilespmem:s25+$0x0]  }
0x24f: {  	s1 =	sadd.s32 $0x4, s1;
	v2 =	vadd.f32 v8, v2;
	v8 =	vld [tilespmem:s24+$0x0]  }
0x250: {  	p0 =	slt.u32 s1, $0x24;
	v1 =	vadd.f32 v5, v1;
	v5 =	vld [tilespmem:s14+$0x0]  }
.Ltmp3:
0x251: {  	v3 =	vadd.f32 v4, v3;
	v4 =	vadd.f32 v6, v2;
	v2 =	vld [tilespmem:s16+$0x0];
	(pc) =	sbr.rel @p0 .LBB2_8-.Ltmp3, $4  }
0x252: {  	v9 =	vadd.f32 v9, v1;
	v1 =	vld [tilespmem:s5+$0x0]  }
0x253: {  	v6 =	vadd.f32 v7, v3;
	v3 =	vld [tilespmem:s0+$0x0]  }
0x254: {  	v8 =	vadd.f32 v8, v4;
	v4 =	vld [tilespmem:s12+$0x0]  }
0x255: {  	s3 =	sadd.s32 $0x200, s3;
	s17 =	sadd.s32 $0x40, s17;
	v7 =	vadd.f32 v5, v6;
	v6 =	vadd.f32 v10, v9;
	v5 =	vld [tilespmem:s31+$0x0]  }
0x256: {  	v9 =	vld [tilespmem:s4+$0x0]  }
0x257: {  	v10 =	vld [tilespmem:s11+$0x0]  }
0x258: {  	v2 =	vadd.f32 v2, v8;
	v63 =	vld [tilespmem:s10+$0x0]  }
0x259: {  	v1 =	vadd.f32 v1, v7;
	v3 =	vadd.f32 v3, v6  }
0x25a: {  	v2 =	vadd.f32 v4, v2  }
0x25b: {  	v1 =	vadd.f32 v5, v1;
	v3 =	vadd.f32 v9, v3  }
0x25c: {  	s0 =	sadd.s32 $0x40, s2;
	v2 =	vadd.f32 v10, v2  }
0x25d: {  	v1 =	vadd.f32 v63, v1;
	[tilespmem:s0+$0x0] =	vst v3  }
0x25e: {  	[tilespmem:s8+$0x0] =	vst v2  }
0x25f: {  	s15 =	simm.s32 $0x9F80;
	s1 =	simm.s32 $0x80;
	[tilespmem:s29+$0x0] =	vst v1  }
0x260: {  	s3 =	simm.s32 $0x3;
	s29 =	simm.s32 $0x100;
	s0 =	rddreg [dreg:$0x1a]  }
0x261: {  	[hbm4b:s0+s1] =	stream.strided.scatter [tilespmem:s15], [sflag:$0x4], $0x280, s29, s1, $0x38;
	[tilespmem:$0x16880] =	vst v63  }
0x262: {  	_ =	swait.ge [sflag:s3], $0x280  }
0x263: {  	[sflag:s3] =	ssyncset.done $0x0  }
0x264: {  	s4 =	simm.s32 $0x4;
	[sflag:s3] =	ssyncadd.s32 $0xFFFFFD80  }
0x265: {  	_ =	swait.ge [sflag:s4], $0x280  }
0x266: {  	s30 =	rddreg [dreg:$0x1f]  }
0x267: {  	s31 =	rddreg [dreg:$0x1b];
	s1 =	sadd.s32 $0x1, s30  }
0x268: {  	p0 =	sne.s32 s1, s31  }
.Ltmp4:
0x269: {  	_ = 	snop;
	(pc) =	sbr.rel @p0 .LBB2_1-.Ltmp4, $4  }
0x26a: {  	_ = 	snop  }
0x26b: {  	s12 =	simm.s32 $0x0;
	s6 =	simm.s32 $0xC780  }
0x26c: {  	s10 =	simm.s32 $0xC800;
	s14 =	simm.s32 $0x1;
	[sflag:s4] =	ssyncset.done $0x0  }
0x26d: {  	s16 =	simm.s32 $0x7780;
	s13 =	rddreg [dreg:$0x1c];
	[sflag:s4] =	ssyncadd.s32 $0xFFFFFD80  }
0x26e: {  	_ =	sfence.sel $0x180000  }
0x26f: {  	[bflag:$0x0] =	sbarrier.arrive $0xFFFF  }
0x270: {  	_ =	strace $0x90000047  }
0x271: {  	s0 =	stileid.u32;
	[bflag:$0x2] =	sbarrier.arrive $0xFFFF  }
0x272: {  	p0 =	sne.s32 s0, $0x0;
	s0 =	rddreg [dreg:$0x7]  }
0x273: {  	s0 =	sadd.s32 @!p0 $0x100000, s0  }
0x274: {  	[sflag:s0] =	ssyncadd.tile.s32 @!p0 $0x1;
	_ =	shalt  }
.Lfunc_end2:
_tile_overlayer_lowered:
.L_overlay_start_2:
0x275: {  	(tag) =	ssettag $0x2  }
0x276: {  	s0 =	rddreg [dreg:$0x0];
	s2 =	stileid.u32  }
0x277: {  	s1 =	rddreg [dreg:$0x1];
	p0 =	sne.s32 s2, $0x0  }
0x278: {  	s3 =	rddreg [dreg:$0x2];
	[bflag:$0x3] =	sbarrier.arrive $0xFFFF;
	s2 =	simm.s32 @!p0 $0x1C05  }
0x279: {  	[timem:s3], [sflag:s2] =	dma.local @!p0 [hbm:s0], s1  }
0x27a: {  	s0 =	simm.s32 @!p0 $0x5  }
0x27b: {  	_ =	swait.ge @!p0 [sflag:s0], s1  }
0x27c: {  	s1 =	ssub.s32 @!p0 $0x0, s1;
	[sflag:s0] =	ssyncset.done @!p0 $0x0  }
0x27d: {  	[sflag:s0] =	ssyncadd.s32 @!p0 s1  }
0x27e: {  	[bflag:$0x3] =	sbarrier.arrive $0xFFFF  }
0x27f: {  	_ =	shalt  }

</sc_bundles>
